<compile_context>
chip_gen: v7x
topology: tpu7x:2x2x1
jax: 0.10.2.dev20260603
libtpu: 0.0.44.dev20260713+nightly
codegen_flags: <defaults>
</compile_context>

<pallas_src>
import functools

import jax
import jax.numpy as jnp
from jax import lax
from jax.experimental import pallas as pl
from jax.experimental.pallas import tpu as pltpu
from jax.experimental.pallas import tpu_sc as plsc

NC = 2
NS = 16
NW = NC * NS

CHUNK = 8
NBUF = 3


@functools.lru_cache(maxsize=None)
def _make_gather(B: int, V: int, D: int):
    assert B % (NW * CHUNK) == 0
    b_per_w = B // NW
    nchunks = b_per_w // CHUNK
    mesh = plsc.VectorSubcoreMesh(core_axis_name="c", subcore_axis_name="s")

    @functools.partial(
        pl.kernel,
        mesh=mesh,
        out_type=jax.ShapeDtypeStruct((B, D), jnp.float32),
        scratch_types=[
            pltpu.VMEM((b_per_w,), jnp.int32),
            pltpu.VMEM((NBUF, CHUNK, D), jnp.float32),
        ]
        + [pltpu.SemaphoreType.DMA] * (2 * NBUF),
    )
    def emb(idx_hbm, table_hbm, out_hbm, idx_v, bufs, *sems):
        gsem = sems[:NBUF]
        wsem = sems[NBUF:]
        wid = lax.axis_index("s") * NC + lax.axis_index("c")
        base = wid * b_per_w
        pltpu.sync_copy(idx_hbm.at[pl.ds(base, b_per_w)], idx_v)

        def start_gather(c, b):
            pltpu.async_copy(
                table_hbm.at[idx_v.at[pl.ds(c * CHUNK, CHUNK)]],
                bufs.at[b],
                gsem[b],
            )

        def wait_gather(c, b):
            pltpu.make_async_copy(
                table_hbm.at[idx_v.at[pl.ds(c * CHUNK, CHUNK)]],
                bufs.at[b],
                gsem[b],
            ).wait()

        def start_write(c, b):
            pltpu.async_copy(
                bufs.at[b],
                out_hbm.at[pl.ds(base + c * CHUNK, CHUNK)],
                wsem[b],
            )

        def wait_write(c, b):
            pltpu.make_async_copy(
                bufs.at[b],
                out_hbm.at[pl.ds(base + c * CHUNK, CHUNK)],
                wsem[b],
            ).wait()

        for b in range(NBUF):
            start_gather(b, b)

        def body(i, _):
            for b in range(NBUF):
                c = i * NBUF + b
                wait_gather(c, b)
                start_write(c, b)
                nxt = c + NBUF

                @pl.when(nxt < nchunks)
                def _():
                    wait_write(c, b)
                    start_gather(nxt, b)

            return 0

        main = NBUF * (nchunks // NBUF)
        lax.fori_loop(0, nchunks // NBUF, body, 0)

        for c in range(main, nchunks):
            wait_gather(c, c % NBUF)
            start_write(c, c % NBUF)

        for c in range(nchunks - NBUF, nchunks):
            wait_write(c, c % NBUF)

    return emb


def kernel(inputs, table):
    V, D = table.shape
    idx = inputs.reshape(-1).astype(jnp.int32)
    out = _make_gather(idx.shape[0], V, D)(idx, table)
    return out.reshape(inputs.shape + (D,))

# --- scband reference (transcript-rebuilt; emitter-appended) ---
"""Pipeline reference for scband-text-embedding-32066225832155 (READ-ONLY COPY).

The authoritative reference and input builder live on the scoring server;
editing this copy changes nothing except your own understanding.
"""

import jax, jax.numpy as jnp
import numpy as np

VOCAB_SIZE = 32002
V_SIZE = 4096

def setup_inputs(seed: int = 0) -> dict:
    key = jax.random.key(seed)
    k_idx, k_tab = jax.random.split(key)
    inputs = jax.random.randint(k_idx, (4, 4096), 0, VOCAB_SIZE, dtype=jnp.int64 if jax.config.jax_enable_x64 else jnp.int32)
    table = jax.random.normal(k_tab, (VOCAB_SIZE, V_SIZE), dtype=jnp.float32) * 0.02
    return {"inputs": inputs, "table": table}

def reference(inputs, table):
    # nn.Embedding forward: row gather from embedding table
    return jnp.take(table, inputs, axis=0)

if __name__ == "__main__":
    import jax
    _d = setup_inputs()
    print(jax.jit(kernel)(*tuple(_d.values())))

</pallas_src>

<mosaic_0001>
#map = affine_map<(d0, d1) -> (0)>
#map1 = affine_map<(d0, d1) -> (0, 0)>
module attributes {stable_mosaic.version = 14 : i64} {
  func.func @emb(%arg0: i32, %arg1: i32, %arg2: memref<16384xi32, #tpu.memory_space<hbm>>, %arg3: memref<32002x4096xf32, #tpu.memory_space<hbm>>, %arg4: memref<16384x4096xf32, #tpu.memory_space<hbm>>, %arg5: memref<512xi32, #tpu.memory_space<vmem>>, %arg6: memref<3x8x4096xf32, #tpu.memory_space<vmem>>, %arg7: memref<!tpu.dma_semaphore, #tpu.memory_space<semaphore_mem>>, %arg8: memref<!tpu.dma_semaphore, #tpu.memory_space<semaphore_mem>>, %arg9: memref<!tpu.dma_semaphore, #tpu.memory_space<semaphore_mem>>, %arg10: memref<!tpu.dma_semaphore, #tpu.memory_space<semaphore_mem>>, %arg11: memref<!tpu.dma_semaphore, #tpu.memory_space<semaphore_mem>>, %arg12: memref<!tpu.dma_semaphore, #tpu.memory_space<semaphore_mem>>) attributes {dimension_semantics = [#tpu.dimension_semantics<core_parallel>, #tpu.dimension_semantics<subcore_parallel>], iteration_bounds = array<i64: 2, 16>, scalar_prefetch = 0 : i64, scratch_operands = 8 : i64, tpu.core_type = #tpu.core_type<sc_vector_subcore>, window_params = [{transform_indices = #map}, {transform_indices = #map1}, {transform_indices = #map1}]} {
    %mul3A = arith.constant 2 : i32
    %mul3A_0 = arith.muli %arg1, %mul3A : i32
    %add3A = arith.addi %mul3A_0, %arg0 : i32
    %mul3A_1 = arith.constant 512 : i32
    %mul3A_2 = arith.muli %add3A, %mul3A_1 : i32
    "tpu.region"() ({
      %run_scoped3A = tpu.sem_alloc : memref<!tpu.dma_semaphore, #tpu.memory_space<semaphore_mem>>
      %dma_start3A_107 = tpu.memref_slice %arg2[%mul3A_2] : memref<16384xi32, #tpu.memory_space<hbm>> -> memref<512xi32, #tpu.memory_space<hbm>>
      %dma_start3A_108 = tpu.memref_slice %arg2[%mul3A_2] : memref<16384xi32, #tpu.memory_space<hbm>> -> memref<512xi32, #tpu.memory_space<hbm>>
      tpu.enqueue_dma source(%dma_start3A_108 : memref<512xi32, #tpu.memory_space<hbm>>) target(%arg5 : memref<512xi32, #tpu.memory_space<vmem>>) target_semaphore(%run_scoped3A : memref<!tpu.dma_semaphore, #tpu.memory_space<semaphore_mem>>)
      %dma_wait3A_109 = tpu.memref_slice %arg2[%mul3A_2] : memref<16384xi32, #tpu.memory_space<hbm>> -> memref<512xi32, #tpu.memory_space<hbm>>
      %dma_wait3A_110 = tpu.memref_slice %arg2[%mul3A_2] : memref<16384xi32, #tpu.memory_space<hbm>> -> memref<512xi32, #tpu.memory_space<hbm>>
      tpu.wait_dma2 semaphore(%run_scoped3A : memref<!tpu.dma_semaphore, #tpu.memory_space<semaphore_mem>>) src(%dma_wait3A_110 : memref<512xi32, #tpu.memory_space<hbm>>) dst(%arg5 : memref<512xi32, #tpu.memory_space<vmem>>)
      tpu.yield
    }) : () -> ()
    %dma_start3A = arith.constant 0 : i32
    %dma_start3A_3 = arith.constant 0 : i32
    %dma_start3A_4 = arith.constant 0 : i32
    %dma_start3A_5 = tpu.memref_slice %arg6[%dma_start3A, %dma_start3A_3, %dma_start3A_4] : memref<3x8x4096xf32, #tpu.memory_space<vmem>> -> memref<1x8x4096xf32, #tpu.memory_space<vmem>>
    %dma_start3A_6 = tpu.memref_squeeze %dma_start3A_5 : memref<1x8x4096xf32, #tpu.memory_space<vmem>> -> memref<8x4096xf32, #tpu.memory_space<vmem>>
    %dma_start3A_7 = arith.constant 0 : i32
    %dma_start3A_8 = tpu.memref_slice %arg5[%dma_start3A_7] : memref<512xi32, #tpu.memory_space<vmem>> -> memref<8xi32, #tpu.memory_space<vmem>>
    %dma_start3A_9 = arith.constant 0 : i32
    %dma_start3A_10 = arith.constant 0 : i32
    %dma_start3A_11 = tpu.memref_slice %arg3[%dma_start3A_9, %dma_start3A_10] : memref<32002x4096xf32, #tpu.memory_space<hbm>> -> memref<32002x4096xf32, #tpu.memory_space<hbm>>
    tpu.enqueue_indirect_dma source(%dma_start3A_11 : memref<32002x4096xf32, #tpu.memory_space<hbm>>) target(%dma_start3A_6 : memref<8x4096xf32, #tpu.memory_space<vmem>>) offsets(%dma_start3A_8 : memref<8xi32, #tpu.memory_space<vmem>>) semaphore(%arg7 : memref<!tpu.dma_semaphore, #tpu.memory_space<semaphore_mem>>)
    %dma_start3A_12 = arith.constant 1 : i32
    %dma_start3A_13 = arith.constant 0 : i32
    %dma_start3A_14 = arith.constant 0 : i32
    %dma_start3A_15 = tpu.memref_slice %arg6[%dma_start3A_12, %dma_start3A_13, %dma_start3A_14] : memref<3x8x4096xf32, #tpu.memory_space<vmem>> -> memref<1x8x4096xf32, #tpu.memory_space<vmem>>
    %dma_start3A_16 = tpu.memref_squeeze %dma_start3A_15 : memref<1x8x4096xf32, #tpu.memory_space<vmem>> -> memref<8x4096xf32, #tpu.memory_space<vmem>>
    %dma_start3A_17 = arith.constant 8 : i32
    %dma_start3A_18 = tpu.memref_slice %arg5[%dma_start3A_17] : memref<512xi32, #tpu.memory_space<vmem>> -> memref<8xi32, #tpu.memory_space<vmem>>
    %dma_start3A_19 = arith.constant 0 : i32
    %dma_start3A_20 = arith.constant 0 : i32
    %dma_start3A_21 = tpu.memref_slice %arg3[%dma_start3A_19, %dma_start3A_20] : memref<32002x4096xf32, #tpu.memory_space<hbm>> -> memref<32002x4096xf32, #tpu.memory_space<hbm>>
    tpu.enqueue_indirect_dma source(%dma_start3A_21 : memref<32002x4096xf32, #tpu.memory_space<hbm>>) target(%dma_start3A_16 : memref<8x4096xf32, #tpu.memory_space<vmem>>) offsets(%dma_start3A_18 : memref<8xi32, #tpu.memory_space<vmem>>) semaphore(%arg8 : memref<!tpu.dma_semaphore, #tpu.memory_space<semaphore_mem>>)
    %dma_start3A_22 = arith.constant 2 : i32
    %dma_start3A_23 = arith.constant 0 : i32
    %dma_start3A_24 = arith.constant 0 : i32
    %dma_start3A_25 = tpu.memref_slice %arg6[%dma_start3A_22, %dma_start3A_23, %dma_start3A_24] : memref<3x8x4096xf32, #tpu.memory_space<vmem>> -> memref<1x8x4096xf32, #tpu.memory_space<vmem>>
    %dma_start3A_26 = tpu.memref_squeeze %dma_start3A_25 : memref<1x8x4096xf32, #tpu.memory_space<vmem>> -> memref<8x4096xf32, #tpu.memory_space<vmem>>
    %dma_start3A_27 = arith.constant 16 : i32
    %dma_start3A_28 = tpu.memref_slice %arg5[%dma_start3A_27] : memref<512xi32, #tpu.memory_space<vmem>> -> memref<8xi32, #tpu.memory_space<vmem>>
    %dma_start3A_29 = arith.constant 0 : i32
    %dma_start3A_30 = arith.constant 0 : i32
    %dma_start3A_31 = tpu.memref_slice %arg3[%dma_start3A_29, %dma_start3A_30] : memref<32002x4096xf32, #tpu.memory_space<hbm>> -> memref<32002x4096xf32, #tpu.memory_space<hbm>>
    tpu.enqueue_indirect_dma source(%dma_start3A_31 : memref<32002x4096xf32, #tpu.memory_space<hbm>>) target(%dma_start3A_26 : memref<8x4096xf32, #tpu.memory_space<vmem>>) offsets(%dma_start3A_28 : memref<8xi32, #tpu.memory_space<vmem>>) semaphore(%arg9 : memref<!tpu.dma_semaphore, #tpu.memory_space<semaphore_mem>>)
    %scan3A = arith.constant 0 : i32
    %scan3A_32 = arith.constant 0 : i32
    %scan3A_33 = arith.constant 21 : i32
    %scan3A_34 = arith.addi %scan3A_32, %scan3A_33 : i32
    %scan3A_35 = arith.constant 1 : i32
    %scan3A_36 = scf.for %scan3A_107 = %scan3A_32 to %scan3A_34 step %scan3A_35 iter_args(%scan3A_108 = %scan3A) -> (i32)  : i32 {
      %mul3A_109 = arith.constant 3 : i32
      %mul3A_110 = arith.muli %scan3A_107, %mul3A_109 : i32
      %add3A_111 = arith.constant 0 : i32
      %add3A_112 = arith.addi %mul3A_110, %add3A_111 : i32
      %mul3A_113 = arith.constant 8 : i32
      %mul3A_114 = arith.muli %add3A_112, %mul3A_113 : i32
      %dma_wait3A_115 = arith.constant 0 : i32
      %dma_wait3A_116 = arith.constant 0 : i32
      %dma_wait3A_117 = arith.constant 0 : i32
      %dma_wait3A_118 = tpu.memref_slice %arg6[%dma_wait3A_115, %dma_wait3A_116, %dma_wait3A_117] : memref<3x8x4096xf32, #tpu.memory_space<vmem>> -> memref<1x8x4096xf32, #tpu.memory_space<vmem>>
      %dma_wait3A_119 = tpu.memref_squeeze %dma_wait3A_118 : memref<1x8x4096xf32, #tpu.memory_space<vmem>> -> memref<8x4096xf32, #tpu.memory_space<vmem>>
      %dma_wait3A_120 = tpu.memref_slice %arg5[%mul3A_114] : memref<512xi32, #tpu.memory_space<vmem>> -> memref<8xi32, #tpu.memory_space<vmem>>
      %dma_wait3A_121 = arith.constant 0 : i32
      %dma_wait3A_122 = arith.constant 0 : i32
      %dma_wait3A_123 = tpu.memref_slice %arg3[%dma_wait3A_121, %dma_wait3A_122] : memref<32002x4096xf32, #tpu.memory_space<hbm>> -> memref<32002x4096xf32, #tpu.memory_space<hbm>>
      tpu.wait_indirect_dma semaphore(%arg7 : memref<!tpu.dma_semaphore, #tpu.memory_space<semaphore_mem>>) src(%dma_wait3A_123 : memref<32002x4096xf32, #tpu.memory_space<hbm>>) dst(%dma_wait3A_119 : memref<8x4096xf32, #tpu.memory_space<vmem>>)
      %mul3A_124 = arith.constant 8 : i32
      %mul3A_125 = arith.muli %add3A_112, %mul3A_124 : i32
      %add3A_126 = arith.addi %mul3A_2, %mul3A_125 : i32
      %dma_start3A_127 = arith.constant 0 : i32
      %dma_start3A_128 = arith.constant 0 : i32
      %dma_start3A_129 = arith.constant 0 : i32
      %dma_start3A_130 = tpu.memref_slice %arg6[%dma_start3A_127, %dma_start3A_128, %dma_start3A_129] : memref<3x8x4096xf32, #tpu.memory_space<vmem>> -> memref<1x8x4096xf32, #tpu.memory_space<vmem>>
      %dma_start3A_131 = tpu.memref_squeeze %dma_start3A_130 : memref<1x8x4096xf32, #tpu.memory_space<vmem>> -> memref<8x4096xf32, #tpu.memory_space<vmem>>
      %dma_start3A_132 = arith.constant 0 : i32
      %dma_start3A_133 = tpu.memref_slice %arg4[%add3A_126, %dma_start3A_132] : memref<16384x4096xf32, #tpu.memory_space<hbm>> -> memref<8x4096xf32, #tpu.memory_space<hbm>>
      %dma_start3A_134 = arith.constant 0 : i32
      %dma_start3A_135 = tpu.memref_slice %arg4[%add3A_126, %dma_start3A_134] : memref<16384x4096xf32, #tpu.memory_space<hbm>> -> memref<8x4096xf32, #tpu.memory_space<hbm>>
      %dma_start3A_136 = arith.constant 0 : i32
      %dma_start3A_137 = arith.constant 0 : i32
      %dma_start3A_138 = tpu.memref_slice %arg6[%dma_start3A_127, %dma_start3A_136, %dma_start3A_137] : memref<3x8x4096xf32, #tpu.memory_space<vmem>> -> memref<1x8x4096xf32, #tpu.memory_space<vmem>>
      %dma_start3A_139 = tpu.memref_squeeze %dma_start3A_138 : memref<1x8x4096xf32, #tpu.memory_space<vmem>> -> memref<8x4096xf32, #tpu.memory_space<vmem>>
      tpu.enqueue_dma source(%dma_start3A_139 : memref<8x4096xf32, #tpu.memory_space<vmem>>) target(%dma_start3A_135 : memref<8x4096xf32, #tpu.memory_space<hbm>>) target_semaphore(%arg10 : memref<!tpu.dma_semaphore, #tpu.memory_space<semaphore_mem>>)
      %add3A_140 = arith.constant 3 : i32
      %add3A_141 = arith.addi %add3A_112, %add3A_140 : i32
      %lt3A = arith.constant 64 : i32
      %lt3A_142 = arith.cmpi slt, %add3A_141, %lt3A : i32
      %convert_element_type3A = arith.extui %lt3A_142 : i1 to i32
      %cond3A = arith.constant 0 : i32
      %cond3A_143 = arith.cmpi ne, %convert_element_type3A, %cond3A : i32
      scf.if %cond3A_143 {
        %mul3A_221 = arith.constant 8 : i32
        %mul3A_222 = arith.muli %add3A_112, %mul3A_221 : i32
        %add3A_223 = arith.addi %mul3A_2, %mul3A_222 : i32
        %dma_wait3A_224 = arith.constant 0 : i32
        %dma_wait3A_225 = arith.constant 0 : i32
        %dma_wait3A_226 = arith.constant 0 : i32
        %dma_wait3A_227 = tpu.memref_slice %arg6[%dma_wait3A_224, %dma_wait3A_225, %dma_wait3A_226] : memref<3x8x4096xf32, #tpu.memory_space<vmem>> -> memref<1x8x4096xf32, #tpu.memory_space<vmem>>
        %dma_wait3A_228 = tpu.memref_squeeze %dma_wait3A_227 : memref<1x8x4096xf32, #tpu.memory_space<vmem>> -> memref<8x4096xf32, #tpu.memory_space<vmem>>
        %dma_wait3A_229 = arith.constant 0 : i32
        %dma_wait3A_230 = tpu.memref_slice %arg4[%add3A_223, %dma_wait3A_229] : memref<16384x4096xf32, #tpu.memory_space<hbm>> -> memref<8x4096xf32, #tpu.memory_space<hbm>>
        %dma_wait3A_231 = arith.constant 0 : i32
        %dma_wait3A_232 = tpu.memref_slice %arg4[%add3A_223, %dma_wait3A_231] : memref<16384x4096xf32, #tpu.memory_space<hbm>> -> memref<8x4096xf32, #tpu.memory_space<hbm>>
        %dma_wait3A_233 = arith.constant 0 : i32
        %dma_wait3A_234 = arith.constant 0 : i32
        %dma_wait3A_235 = tpu.memref_slice %arg6[%dma_wait3A_224, %dma_wait3A_233, %dma_wait3A_234] : memref<3x8x4096xf32, #tpu.memory_space<vmem>> -> memref<1x8x4096xf32, #tpu.memory_space<vmem>>
        %dma_wait3A_236 = tpu.memref_squeeze %dma_wait3A_235 : memref<1x8x4096xf32, #tpu.memory_space<vmem>> -> memref<8x4096xf32, #tpu.memory_space<vmem>>
        tpu.wait_dma2 semaphore(%arg10 : memref<!tpu.dma_semaphore, #tpu.memory_space<semaphore_mem>>) src(%dma_wait3A_236 : memref<8x4096xf32, #tpu.memory_space<vmem>>) dst(%dma_wait3A_232 : memref<8x4096xf32, #tpu.memory_space<hbm>>)
        %mul3A_237 = arith.constant 8 : i32
        %mul3A_238 = arith.muli %add3A_141, %mul3A_237 : i32
        %dma_start3A_239 = arith.constant 0 : i32
        %dma_start3A_240 = arith.constant 0 : i32
        %dma_start3A_241 = arith.constant 0 : i32
        %dma_start3A_242 = tpu.memref_slice %arg6[%dma_start3A_239, %dma_start3A_240, %dma_start3A_241] : memref<3x8x4096xf32, #tpu.memory_space<vmem>> -> memref<1x8x4096xf32, #tpu.memory_space<vmem>>
        %dma_start3A_243 = tpu.memref_squeeze %dma_start3A_242 : memref<1x8x4096xf32, #tpu.memory_space<vmem>> -> memref<8x4096xf32, #tpu.memory_space<vmem>>
        %dma_start3A_244 = tpu.memref_slice %arg5[%mul3A_238] : memref<512xi32, #tpu.memory_space<vmem>> -> memref<8xi32, #tpu.memory_space<vmem>>
        %dma_start3A_245 = arith.constant 0 : i32
        %dma_start3A_246 = arith.constant 0 : i32
        %dma_start3A_247 = tpu.memref_slice %arg3[%dma_start3A_245, %dma_start3A_246] : memref<32002x4096xf32, #tpu.memory_space<hbm>> -> memref<32002x4096xf32, #tpu.memory_space<hbm>>
        tpu.enqueue_indirect_dma source(%dma_start3A_247 : memref<32002x4096xf32, #tpu.memory_space<hbm>>) target(%dma_start3A_243 : memref<8x4096xf32, #tpu.memory_space<vmem>>) offsets(%dma_start3A_244 : memref<8xi32, #tpu.memory_space<vmem>>) semaphore(%arg7 : memref<!tpu.dma_semaphore, #tpu.memory_space<semaphore_mem>>)
      } else {
      }
      %mul3A_144 = arith.constant 3 : i32
      %mul3A_145 = arith.muli %scan3A_107, %mul3A_144 : i32
      %add3A_146 = arith.constant 1 : i32
      %add3A_147 = arith.addi %mul3A_145, %add3A_146 : i32
      %mul3A_148 = arith.constant 8 : i32
      %mul3A_149 = arith.muli %add3A_147, %mul3A_148 : i32
      %dma_wait3A_150 = arith.constant 1 : i32
      %dma_wait3A_151 = arith.constant 0 : i32
      %dma_wait3A_152 = arith.constant 0 : i32
      %dma_wait3A_153 = tpu.memref_slice %arg6[%dma_wait3A_150, %dma_wait3A_151, %dma_wait3A_152] : memref<3x8x4096xf32, #tpu.memory_space<vmem>> -> memref<1x8x4096xf32, #tpu.memory_space<vmem>>
      %dma_wait3A_154 = tpu.memref_squeeze %dma_wait3A_153 : memref<1x8x4096xf32, #tpu.memory_space<vmem>> -> memref<8x4096xf32, #tpu.memory_space<vmem>>
      %dma_wait3A_155 = tpu.memref_slice %arg5[%mul3A_149] : memref<512xi32, #tpu.memory_space<vmem>> -> memref<8xi32, #tpu.memory_space<vmem>>
      %dma_wait3A_156 = arith.constant 0 : i32
      %dma_wait3A_157 = arith.constant 0 : i32
      %dma_wait3A_158 = tpu.memref_slice %arg3[%dma_wait3A_156, %dma_wait3A_157] : memref<32002x4096xf32, #tpu.memory_space<hbm>> -> memref<32002x4096xf32, #tpu.memory_space<hbm>>
      tpu.wait_indirect_dma semaphore(%arg8 : memref<!tpu.dma_semaphore, #tpu.memory_space<semaphore_mem>>) src(%dma_wait3A_158 : memref<32002x4096xf32, #tpu.memory_space<hbm>>) dst(%dma_wait3A_154 : memref<8x4096xf32, #tpu.memory_space<vmem>>)
      %mul3A_159 = arith.constant 8 : i32
      %mul3A_160 = arith.muli %add3A_147, %mul3A_159 : i32
      %add3A_161 = arith.addi %mul3A_2, %mul3A_160 : i32
      %dma_start3A_162 = arith.constant 1 : i32
      %dma_start3A_163 = arith.constant 0 : i32
      %dma_start3A_164 = arith.constant 0 : i32
      %dma_start3A_165 = tpu.memref_slice %arg6[%dma_start3A_162, %dma_start3A_163, %dma_start3A_164] : memref<3x8x4096xf32, #tpu.memory_space<vmem>> -> memref<1x8x4096xf32, #tpu.memory_space<vmem>>
      %dma_start3A_166 = tpu.memref_squeeze %dma_start3A_165 : memref<1x8x4096xf32, #tpu.memory_space<vmem>> -> memref<8x4096xf32, #tpu.memory_space<vmem>>
      %dma_start3A_167 = arith.constant 0 : i32
      %dma_start3A_168 = tpu.memref_slice %arg4[%add3A_161, %dma_start3A_167] : memref<16384x4096xf32, #tpu.memory_space<hbm>> -> memref<8x4096xf32, #tpu.memory_space<hbm>>
      %dma_start3A_169 = arith.constant 0 : i32
      %dma_start3A_170 = tpu.memref_slice %arg4[%add3A_161, %dma_start3A_169] : memref<16384x4096xf32, #tpu.memory_space<hbm>> -> memref<8x4096xf32, #tpu.memory_space<hbm>>
      %dma_start3A_171 = arith.constant 0 : i32
      %dma_start3A_172 = arith.constant 0 : i32
      %dma_start3A_173 = tpu.memref_slice %arg6[%dma_start3A_162, %dma_start3A_171, %dma_start3A_172] : memref<3x8x4096xf32, #tpu.memory_space<vmem>> -> memref<1x8x4096xf32, #tpu.memory_space<vmem>>
      %dma_start3A_174 = tpu.memref_squeeze %dma_start3A_173 : memref<1x8x4096xf32, #tpu.memory_space<vmem>> -> memref<8x4096xf32, #tpu.memory_space<vmem>>
      tpu.enqueue_dma source(%dma_start3A_174 : memref<8x4096xf32, #tpu.memory_space<vmem>>) target(%dma_start3A_170 : memref<8x4096xf32, #tpu.memory_space<hbm>>) target_semaphore(%arg11 : memref<!tpu.dma_semaphore, #tpu.memory_space<semaphore_mem>>)
      %add3A_175 = arith.constant 3 : i32
      %add3A_176 = arith.addi %add3A_147, %add3A_175 : i32
      %lt3A_177 = arith.constant 64 : i32
      %lt3A_178 = arith.cmpi slt, %add3A_176, %lt3A_177 : i32
      %convert_element_type3A_179 = arith.extui %lt3A_178 : i1 to i32
      %cond3A_180 = arith.constant 0 : i32
      %cond3A_181 = arith.cmpi ne, %convert_element_type3A_179, %cond3A_180 : i32
      scf.if %cond3A_181 {
        %mul3A_221 = arith.constant 8 : i32
        %mul3A_222 = arith.muli %add3A_147, %mul3A_221 : i32
        %add3A_223 = arith.addi %mul3A_2, %mul3A_222 : i32
        %dma_wait3A_224 = arith.constant 1 : i32
        %dma_wait3A_225 = arith.constant 0 : i32
        %dma_wait3A_226 = arith.constant 0 : i32
        %dma_wait3A_227 = tpu.memref_slice %arg6[%dma_wait3A_224, %dma_wait3A_225, %dma_wait3A_226] : memref<3x8x4096xf32, #tpu.memory_space<vmem>> -> memref<1x8x4096xf32, #tpu.memory_space<vmem>>
        %dma_wait3A_228 = tpu.memref_squeeze %dma_wait3A_227 : memref<1x8x4096xf32, #tpu.memory_space<vmem>> -> memref<8x4096xf32, #tpu.memory_space<vmem>>
        %dma_wait3A_229 = arith.constant 0 : i32
        %dma_wait3A_230 = tpu.memref_slice %arg4[%add3A_223, %dma_wait3A_229] : memref<16384x4096xf32, #tpu.memory_space<hbm>> -> memref<8x4096xf32, #tpu.memory_space<hbm>>
        %dma_wait3A_231 = arith.constant 0 : i32
        %dma_wait3A_232 = tpu.memref_slice %arg4[%add3A_223, %dma_wait3A_231] : memref<16384x4096xf32, #tpu.memory_space<hbm>> -> memref<8x4096xf32, #tpu.memory_space<hbm>>
        %dma_wait3A_233 = arith.constant 0 : i32
        %dma_wait3A_234 = arith.constant 0 : i32
        %dma_wait3A_235 = tpu.memref_slice %arg6[%dma_wait3A_224, %dma_wait3A_233, %dma_wait3A_234] : memref<3x8x4096xf32, #tpu.memory_space<vmem>> -> memref<1x8x4096xf32, #tpu.memory_space<vmem>>
        %dma_wait3A_236 = tpu.memref_squeeze %dma_wait3A_235 : memref<1x8x4096xf32, #tpu.memory_space<vmem>> -> memref<8x4096xf32, #tpu.memory_space<vmem>>
        tpu.wait_dma2 semaphore(%arg11 : memref<!tpu.dma_semaphore, #tpu.memory_space<semaphore_mem>>) src(%dma_wait3A_236 : memref<8x4096xf32, #tpu.memory_space<vmem>>) dst(%dma_wait3A_232 : memref<8x4096xf32, #tpu.memory_space<hbm>>)
        %mul3A_237 = arith.constant 8 : i32
        %mul3A_238 = arith.muli %add3A_176, %mul3A_237 : i32
        %dma_start3A_239 = arith.constant 1 : i32
        %dma_start3A_240 = arith.constant 0 : i32
        %dma_start3A_241 = arith.constant 0 : i32
        %dma_start3A_242 = tpu.memref_slice %arg6[%dma_start3A_239, %dma_start3A_240, %dma_start3A_241] : memref<3x8x4096xf32, #tpu.memory_space<vmem>> -> memref<1x8x4096xf32, #tpu.memory_space<vmem>>
        %dma_start3A_243 = tpu.memref_squeeze %dma_start3A_242 : memref<1x8x4096xf32, #tpu.memory_space<vmem>> -> memref<8x4096xf32, #tpu.memory_space<vmem>>
        %dma_start3A_244 = tpu.memref_slice %arg5[%mul3A_238] : memref<512xi32, #tpu.memory_space<vmem>> -> memref<8xi32, #tpu.memory_space<vmem>>
        %dma_start3A_245 = arith.constant 0 : i32
        %dma_start3A_246 = arith.constant 0 : i32
        %dma_start3A_247 = tpu.memref_slice %arg3[%dma_start3A_245, %dma_start3A_246] : memref<32002x4096xf32, #tpu.memory_space<hbm>> -> memref<32002x4096xf32, #tpu.memory_space<hbm>>
        tpu.enqueue_indirect_dma source(%dma_start3A_247 : memref<32002x4096xf32, #tpu.memory_space<hbm>>) target(%dma_start3A_243 : memref<8x4096xf32, #tpu.memory_space<vmem>>) offsets(%dma_start3A_244 : memref<8xi32, #tpu.memory_space<vmem>>) semaphore(%arg8 : memref<!tpu.dma_semaphore, #tpu.memory_space<semaphore_mem>>)
      } else {
      }
      %mul3A_182 = arith.constant 3 : i32
      %mul3A_183 = arith.muli %scan3A_107, %mul3A_182 : i32
      %add3A_184 = arith.constant 2 : i32
      %add3A_185 = arith.addi %mul3A_183, %add3A_184 : i32
      %mul3A_186 = arith.constant 8 : i32
      %mul3A_187 = arith.muli %add3A_185, %mul3A_186 : i32
      %dma_wait3A_188 = arith.constant 2 : i32
      %dma_wait3A_189 = arith.constant 0 : i32
      %dma_wait3A_190 = arith.constant 0 : i32
      %dma_wait3A_191 = tpu.memref_slice %arg6[%dma_wait3A_188, %dma_wait3A_189, %dma_wait3A_190] : memref<3x8x4096xf32, #tpu.memory_space<vmem>> -> memref<1x8x4096xf32, #tpu.memory_space<vmem>>
      %dma_wait3A_192 = tpu.memref_squeeze %dma_wait3A_191 : memref<1x8x4096xf32, #tpu.memory_space<vmem>> -> memref<8x4096xf32, #tpu.memory_space<vmem>>
      %dma_wait3A_193 = tpu.memref_slice %arg5[%mul3A_187] : memref<512xi32, #tpu.memory_space<vmem>> -> memref<8xi32, #tpu.memory_space<vmem>>
      %dma_wait3A_194 = arith.constant 0 : i32
      %dma_wait3A_195 = arith.constant 0 : i32
      %dma_wait3A_196 = tpu.memref_slice %arg3[%dma_wait3A_194, %dma_wait3A_195] : memref<32002x4096xf32, #tpu.memory_space<hbm>> -> memref<32002x4096xf32, #tpu.memory_space<hbm>>
      tpu.wait_indirect_dma semaphore(%arg9 : memref<!tpu.dma_semaphore, #tpu.memory_space<semaphore_mem>>) src(%dma_wait3A_196 : memref<32002x4096xf32, #tpu.memory_space<hbm>>) dst(%dma_wait3A_192 : memref<8x4096xf32, #tpu.memory_space<vmem>>)
      %mul3A_197 = arith.constant 8 : i32
      %mul3A_198 = arith.muli %add3A_185, %mul3A_197 : i32
      %add3A_199 = arith.addi %mul3A_2, %mul3A_198 : i32
      %dma_start3A_200 = arith.constant 2 : i32
      %dma_start3A_201 = arith.constant 0 : i32
      %dma_start3A_202 = arith.constant 0 : i32
      %dma_start3A_203 = tpu.memref_slice %arg6[%dma_start3A_200, %dma_start3A_201, %dma_start3A_202] : memref<3x8x4096xf32, #tpu.memory_space<vmem>> -> memref<1x8x4096xf32, #tpu.memory_space<vmem>>
      %dma_start3A_204 = tpu.memref_squeeze %dma_start3A_203 : memref<1x8x4096xf32, #tpu.memory_space<vmem>> -> memref<8x4096xf32, #tpu.memory_space<vmem>>
      %dma_start3A_205 = arith.constant 0 : i32
      %dma_start3A_206 = tpu.memref_slice %arg4[%add3A_199, %dma_start3A_205] : memref<16384x4096xf32, #tpu.memory_space<hbm>> -> memref<8x4096xf32, #tpu.memory_space<hbm>>
      %dma_start3A_207 = arith.constant 0 : i32
      %dma_start3A_208 = tpu.memref_slice %arg4[%add3A_199, %dma_start3A_207] : memref<16384x4096xf32, #tpu.memory_space<hbm>> -> memref<8x4096xf32, #tpu.memory_space<hbm>>
      %dma_start3A_209 = arith.constant 0 : i32
      %dma_start3A_210 = arith.constant 0 : i32
      %dma_start3A_211 = tpu.memref_slice %arg6[%dma_start3A_200, %dma_start3A_209, %dma_start3A_210] : memref<3x8x4096xf32, #tpu.memory_space<vmem>> -> memref<1x8x4096xf32, #tpu.memory_space<vmem>>
      %dma_start3A_212 = tpu.memref_squeeze %dma_start3A_211 : memref<1x8x4096xf32, #tpu.memory_space<vmem>> -> memref<8x4096xf32, #tpu.memory_space<vmem>>
      tpu.enqueue_dma source(%dma_start3A_212 : memref<8x4096xf32, #tpu.memory_space<vmem>>) target(%dma_start3A_208 : memref<8x4096xf32, #tpu.memory_space<hbm>>) target_semaphore(%arg12 : memref<!tpu.dma_semaphore, #tpu.memory_space<semaphore_mem>>)
      %add3A_213 = arith.constant 3 : i32
      %add3A_214 = arith.addi %add3A_185, %add3A_213 : i32
      %lt3A_215 = arith.constant 64 : i32
      %lt3A_216 = arith.cmpi slt, %add3A_214, %lt3A_215 : i32
      %convert_element_type3A_217 = arith.extui %lt3A_216 : i1 to i32
      %cond3A_218 = arith.constant 0 : i32
      %cond3A_219 = arith.cmpi ne, %convert_element_type3A_217, %cond3A_218 : i32
      scf.if %cond3A_219 {
        %mul3A_221 = arith.constant 8 : i32
        %mul3A_222 = arith.muli %add3A_185, %mul3A_221 : i32
        %add3A_223 = arith.addi %mul3A_2, %mul3A_222 : i32
        %dma_wait3A_224 = arith.constant 2 : i32
        %dma_wait3A_225 = arith.constant 0 : i32
        %dma_wait3A_226 = arith.constant 0 : i32
        %dma_wait3A_227 = tpu.memref_slice %arg6[%dma_wait3A_224, %dma_wait3A_225, %dma_wait3A_226] : memref<3x8x4096xf32, #tpu.memory_space<vmem>> -> memref<1x8x4096xf32, #tpu.memory_space<vmem>>
        %dma_wait3A_228 = tpu.memref_squeeze %dma_wait3A_227 : memref<1x8x4096xf32, #tpu.memory_space<vmem>> -> memref<8x4096xf32, #tpu.memory_space<vmem>>
        %dma_wait3A_229 = arith.constant 0 : i32
        %dma_wait3A_230 = tpu.memref_slice %arg4[%add3A_223, %dma_wait3A_229] : memref<16384x4096xf32, #tpu.memory_space<hbm>> -> memref<8x4096xf32, #tpu.memory_space<hbm>>
        %dma_wait3A_231 = arith.constant 0 : i32
        %dma_wait3A_232 = tpu.memref_slice %arg4[%add3A_223, %dma_wait3A_231] : memref<16384x4096xf32, #tpu.memory_space<hbm>> -> memref<8x4096xf32, #tpu.memory_space<hbm>>
        %dma_wait3A_233 = arith.constant 0 : i32
        %dma_wait3A_234 = arith.constant 0 : i32
        %dma_wait3A_235 = tpu.memref_slice %arg6[%dma_wait3A_224, %dma_wait3A_233, %dma_wait3A_234] : memref<3x8x4096xf32, #tpu.memory_space<vmem>> -> memref<1x8x4096xf32, #tpu.memory_space<vmem>>
        %dma_wait3A_236 = tpu.memref_squeeze %dma_wait3A_235 : memref<1x8x4096xf32, #tpu.memory_space<vmem>> -> memref<8x4096xf32, #tpu.memory_space<vmem>>
        tpu.wait_dma2 semaphore(%arg12 : memref<!tpu.dma_semaphore, #tpu.memory_space<semaphore_mem>>) src(%dma_wait3A_236 : memref<8x4096xf32, #tpu.memory_space<vmem>>) dst(%dma_wait3A_232 : memref<8x4096xf32, #tpu.memory_space<hbm>>)
        %mul3A_237 = arith.constant 8 : i32
        %mul3A_238 = arith.muli %add3A_214, %mul3A_237 : i32
        %dma_start3A_239 = arith.constant 2 : i32
        %dma_start3A_240 = arith.constant 0 : i32
        %dma_start3A_241 = arith.constant 0 : i32
        %dma_start3A_242 = tpu.memref_slice %arg6[%dma_start3A_239, %dma_start3A_240, %dma_start3A_241] : memref<3x8x4096xf32, #tpu.memory_space<vmem>> -> memref<1x8x4096xf32, #tpu.memory_space<vmem>>
        %dma_start3A_243 = tpu.memref_squeeze %dma_start3A_242 : memref<1x8x4096xf32, #tpu.memory_space<vmem>> -> memref<8x4096xf32, #tpu.memory_space<vmem>>
        %dma_start3A_244 = tpu.memref_slice %arg5[%mul3A_238] : memref<512xi32, #tpu.memory_space<vmem>> -> memref<8xi32, #tpu.memory_space<vmem>>
        %dma_start3A_245 = arith.constant 0 : i32
        %dma_start3A_246 = arith.constant 0 : i32
        %dma_start3A_247 = tpu.memref_slice %arg3[%dma_start3A_245, %dma_start3A_246] : memref<32002x4096xf32, #tpu.memory_space<hbm>> -> memref<32002x4096xf32, #tpu.memory_space<hbm>>
        tpu.enqueue_indirect_dma source(%dma_start3A_247 : memref<32002x4096xf32, #tpu.memory_space<hbm>>) target(%dma_start3A_243 : memref<8x4096xf32, #tpu.memory_space<vmem>>) offsets(%dma_start3A_244 : memref<8xi32, #tpu.memory_space<vmem>>) semaphore(%arg9 : memref<!tpu.dma_semaphore, #tpu.memory_space<semaphore_mem>>)
      } else {
      }
      %scan3A_220 = arith.constant 0 : i32
      scf.yield %scan3A_220 : i32
    }
    %scan3A_37 = arith.constant 21 : i32
    %dma_wait3A = arith.constant 0 : i32
    %dma_wait3A_38 = arith.constant 0 : i32
    %dma_wait3A_39 = arith.constant 0 : i32
    %dma_wait3A_40 = tpu.memref_slice %arg6[%dma_wait3A, %dma_wait3A_38, %dma_wait3A_39] : memref<3x8x4096xf32, #tpu.memory_space<vmem>> -> memref<1x8x4096xf32, #tpu.memory_space<vmem>>
    %dma_wait3A_41 = tpu.memref_squeeze %dma_wait3A_40 : memref<1x8x4096xf32, #tpu.memory_space<vmem>> -> memref<8x4096xf32, #tpu.memory_space<vmem>>
    %dma_wait3A_42 = arith.constant 504 : i32
    %dma_wait3A_43 = tpu.memref_slice %arg5[%dma_wait3A_42] : memref<512xi32, #tpu.memory_space<vmem>> -> memref<8xi32, #tpu.memory_space<vmem>>
    %dma_wait3A_44 = arith.constant 0 : i32
    %dma_wait3A_45 = arith.constant 0 : i32
    %dma_wait3A_46 = tpu.memref_slice %arg3[%dma_wait3A_44, %dma_wait3A_45] : memref<32002x4096xf32, #tpu.memory_space<hbm>> -> memref<32002x4096xf32, #tpu.memory_space<hbm>>
    tpu.wait_indirect_dma semaphore(%arg7 : memref<!tpu.dma_semaphore, #tpu.memory_space<semaphore_mem>>) src(%dma_wait3A_46 : memref<32002x4096xf32, #tpu.memory_space<hbm>>) dst(%dma_wait3A_41 : memref<8x4096xf32, #tpu.memory_space<vmem>>)
    %add3A_47 = arith.constant 504 : i32
    %add3A_48 = arith.addi %mul3A_2, %add3A_47 : i32
    %dma_start3A_49 = arith.constant 0 : i32
    %dma_start3A_50 = arith.constant 0 : i32
    %dma_start3A_51 = arith.constant 0 : i32
    %dma_start3A_52 = tpu.memref_slice %arg6[%dma_start3A_49, %dma_start3A_50, %dma_start3A_51] : memref<3x8x4096xf32, #tpu.memory_space<vmem>> -> memref<1x8x4096xf32, #tpu.memory_space<vmem>>
    %dma_start3A_53 = tpu.memref_squeeze %dma_start3A_52 : memref<1x8x4096xf32, #tpu.memory_space<vmem>> -> memref<8x4096xf32, #tpu.memory_space<vmem>>
    %dma_start3A_54 = arith.constant 0 : i32
    %dma_start3A_55 = tpu.memref_slice %arg4[%add3A_48, %dma_start3A_54] : memref<16384x4096xf32, #tpu.memory_space<hbm>> -> memref<8x4096xf32, #tpu.memory_space<hbm>>
    %dma_start3A_56 = arith.constant 0 : i32
    %dma_start3A_57 = tpu.memref_slice %arg4[%add3A_48, %dma_start3A_56] : memref<16384x4096xf32, #tpu.memory_space<hbm>> -> memref<8x4096xf32, #tpu.memory_space<hbm>>
    %dma_start3A_58 = arith.constant 0 : i32
    %dma_start3A_59 = arith.constant 0 : i32
    %dma_start3A_60 = tpu.memref_slice %arg6[%dma_start3A_49, %dma_start3A_58, %dma_start3A_59] : memref<3x8x4096xf32, #tpu.memory_space<vmem>> -> memref<1x8x4096xf32, #tpu.memory_space<vmem>>
    %dma_start3A_61 = tpu.memref_squeeze %dma_start3A_60 : memref<1x8x4096xf32, #tpu.memory_space<vmem>> -> memref<8x4096xf32, #tpu.memory_space<vmem>>
    tpu.enqueue_dma source(%dma_start3A_61 : memref<8x4096xf32, #tpu.memory_space<vmem>>) target(%dma_start3A_57 : memref<8x4096xf32, #tpu.memory_space<hbm>>) target_semaphore(%arg10 : memref<!tpu.dma_semaphore, #tpu.memory_space<semaphore_mem>>)
    %add3A_62 = arith.constant 488 : i32
    %add3A_63 = arith.addi %mul3A_2, %add3A_62 : i32
    %dma_wait3A_64 = arith.constant 1 : i32
    %dma_wait3A_65 = arith.constant 0 : i32
    %dma_wait3A_66 = arith.constant 0 : i32
    %dma_wait3A_67 = tpu.memref_slice %arg6[%dma_wait3A_64, %dma_wait3A_65, %dma_wait3A_66] : memref<3x8x4096xf32, #tpu.memory_space<vmem>> -> memref<1x8x4096xf32, #tpu.memory_space<vmem>>
    %dma_wait3A_68 = tpu.memref_squeeze %dma_wait3A_67 : memref<1x8x4096xf32, #tpu.memory_space<vmem>> -> memref<8x4096xf32, #tpu.memory_space<vmem>>
    %dma_wait3A_69 = arith.constant 0 : i32
    %dma_wait3A_70 = tpu.memref_slice %arg4[%add3A_63, %dma_wait3A_69] : memref<16384x4096xf32, #tpu.memory_space<hbm>> -> memref<8x4096xf32, #tpu.memory_space<hbm>>
    %dma_wait3A_71 = arith.constant 0 : i32
    %dma_wait3A_72 = tpu.memref_slice %arg4[%add3A_63, %dma_wait3A_71] : memref<16384x4096xf32, #tpu.memory_space<hbm>> -> memref<8x4096xf32, #tpu.memory_space<hbm>>
    %dma_wait3A_73 = arith.constant 0 : i32
    %dma_wait3A_74 = arith.constant 0 : i32
    %dma_wait3A_75 = tpu.memref_slice %arg6[%dma_wait3A_64, %dma_wait3A_73, %dma_wait3A_74] : memref<3x8x4096xf32, #tpu.memory_space<vmem>> -> memref<1x8x4096xf32, #tpu.memory_space<vmem>>
    %dma_wait3A_76 = tpu.memref_squeeze %dma_wait3A_75 : memref<1x8x4096xf32, #tpu.memory_space<vmem>> -> memref<8x4096xf32, #tpu.memory_space<vmem>>
    tpu.wait_dma2 semaphore(%arg11 : memref<!tpu.dma_semaphore, #tpu.memory_space<semaphore_mem>>) src(%dma_wait3A_76 : memref<8x4096xf32, #tpu.memory_space<vmem>>) dst(%dma_wait3A_72 : memref<8x4096xf32, #tpu.memory_space<hbm>>)
    %add3A_77 = arith.constant 496 : i32
    %add3A_78 = arith.addi %mul3A_2, %add3A_77 : i32
    %dma_wait3A_79 = arith.constant 2 : i32
    %dma_wait3A_80 = arith.constant 0 : i32
    %dma_wait3A_81 = arith.constant 0 : i32
    %dma_wait3A_82 = tpu.memref_slice %arg6[%dma_wait3A_79, %dma_wait3A_80, %dma_wait3A_81] : memref<3x8x4096xf32, #tpu.memory_space<vmem>> -> memref<1x8x4096xf32, #tpu.memory_space<vmem>>
    %dma_wait3A_83 = tpu.memref_squeeze %dma_wait3A_82 : memref<1x8x4096xf32, #tpu.memory_space<vmem>> -> memref<8x4096xf32, #tpu.memory_space<vmem>>
    %dma_wait3A_84 = arith.constant 0 : i32
    %dma_wait3A_85 = tpu.memref_slice %arg4[%add3A_78, %dma_wait3A_84] : memref<16384x4096xf32, #tpu.memory_space<hbm>> -> memref<8x4096xf32, #tpu.memory_space<hbm>>
    %dma_wait3A_86 = arith.constant 0 : i32
    %dma_wait3A_87 = tpu.memref_slice %arg4[%add3A_78, %dma_wait3A_86] : memref<16384x4096xf32, #tpu.memory_space<hbm>> -> memref<8x4096xf32, #tpu.memory_space<hbm>>
    %dma_wait3A_88 = arith.constant 0 : i32
    %dma_wait3A_89 = arith.constant 0 : i32
    %dma_wait3A_90 = tpu.memref_slice %arg6[%dma_wait3A_79, %dma_wait3A_88, %dma_wait3A_89] : memref<3x8x4096xf32, #tpu.memory_space<vmem>> -> memref<1x8x4096xf32, #tpu.memory_space<vmem>>
    %dma_wait3A_91 = tpu.memref_squeeze %dma_wait3A_90 : memref<1x8x4096xf32, #tpu.memory_space<vmem>> -> memref<8x4096xf32, #tpu.memory_space<vmem>>
    tpu.wait_dma2 semaphore(%arg12 : memref<!tpu.dma_semaphore, #tpu.memory_space<semaphore_mem>>) src(%dma_wait3A_91 : memref<8x4096xf32, #tpu.memory_space<vmem>>) dst(%dma_wait3A_87 : memref<8x4096xf32, #tpu.memory_space<hbm>>)
    %add3A_92 = arith.constant 504 : i32
    %add3A_93 = arith.addi %mul3A_2, %add3A_92 : i32
    %dma_wait3A_94 = arith.constant 0 : i32
    %dma_wait3A_95 = arith.constant 0 : i32
    %dma_wait3A_96 = arith.constant 0 : i32
    %dma_wait3A_97 = tpu.memref_slice %arg6[%dma_wait3A_94, %dma_wait3A_95, %dma_wait3A_96] : memref<3x8x4096xf32, #tpu.memory_space<vmem>> -> memref<1x8x4096xf32, #tpu.memory_space<vmem>>
    %dma_wait3A_98 = tpu.memref_squeeze %dma_wait3A_97 : memref<1x8x4096xf32, #tpu.memory_space<vmem>> -> memref<8x4096xf32, #tpu.memory_space<vmem>>
    %dma_wait3A_99 = arith.constant 0 : i32
    %dma_wait3A_100 = tpu.memref_slice %arg4[%add3A_93, %dma_wait3A_99] : memref<16384x4096xf32, #tpu.memory_space<hbm>> -> memref<8x4096xf32, #tpu.memory_space<hbm>>
    %dma_wait3A_101 = arith.constant 0 : i32
    %dma_wait3A_102 = tpu.memref_slice %arg4[%add3A_93, %dma_wait3A_101] : memref<16384x4096xf32, #tpu.memory_space<hbm>> -> memref<8x4096xf32, #tpu.memory_space<hbm>>
    %dma_wait3A_103 = arith.constant 0 : i32
    %dma_wait3A_104 = arith.constant 0 : i32
    %dma_wait3A_105 = tpu.memref_slice %arg6[%dma_wait3A_94, %dma_wait3A_103, %dma_wait3A_104] : memref<3x8x4096xf32, #tpu.memory_space<vmem>> -> memref<1x8x4096xf32, #tpu.memory_space<vmem>>
    %dma_wait3A_106 = tpu.memref_squeeze %dma_wait3A_105 : memref<1x8x4096xf32, #tpu.memory_space<vmem>> -> memref<8x4096xf32, #tpu.memory_space<vmem>>
    tpu.wait_dma2 semaphore(%arg10 : memref<!tpu.dma_semaphore, #tpu.memory_space<semaphore_mem>>) src(%dma_wait3A_106 : memref<8x4096xf32, #tpu.memory_space<vmem>>) dst(%dma_wait3A_102 : memref<8x4096xf32, #tpu.memory_space<hbm>>)
    return
  }
}

</mosaic_0001>

<sc_bundles>
// kernel: kernel.3.cloned.1.call-start
scs
__scs_entry_jumppad:
0x0: {  	(pc) =	sbr.rel $0x88, $3  }
0x1: {  	(tag) =	ssettag $0x0;
	lr =	simm.s32 $0x1  }
0x2: {  	[smem:$0x3F9F] =	sst lr;
	_ =	strace $0xD0000000  }
0x3: {  	_ = 	snop  }
0x4: {  	_ = 	snop  }
0x5: {  	_ = 	snop  }
0x6: {  	_ = 	snop  }
0x7: {  	_ = 	snop  }
__scs_overlays_trampoline_lowered:
0x8: {  	[smem:$0x3FAE] =	sst s0  }
0x9: {  	[smem:$0x3FAF] =	sst s1  }
0xa: {  	[smem:$0x3FB0] =	sst s2  }
0xb: {  	[smem:$0x3FB1] =	sst s3  }
0xc: {  	[smem:$0x3FB2] =	sst s4  }
0xd: {  	[smem:$0x3FB3] =	sst s5  }
0xe: {  	[smem:$0x3FB4] =	sst s6  }
0xf: {  	[smem:$0x3FB5] =	sst s7  }
0x10: {  	[smem:$0x3FB6] =	sst s8  }
0x11: {  	[smem:$0x3FB7] =	sst s9;
	s0 =	simm.s32 @!p0 $0x0  }
0x12: {  	s1 =	sld [smem:$0x3F9D];
	s0 =	simm.s32 @p0 $0x1  }
0x13: {  	[smem:$0x3FB8] =	sst s0;
	s0 =	simm.s32 @!p1 $0x0  }
0x14: {  	s2 =	sld [smem:$0x3F9C];
	s0 =	simm.s32 @p1 $0x1  }
0x15: {  	[smem:$0x3FB9] =	sst s0;
	s0 =	simm.s32 @!p2 $0x0  }
0x16: {  	s3 =	sld [smem:$0x3FDB];
	s0 =	simm.s32 @p2 $0x1  }
0x17: {  	s4 =	simm.s32 $0x1BF5;
	[smem:$0x3FBB] =	sst s0  }
0x18: {  	s0 =	sld [smem:$0x3F9E];
	_ =	swait.ge [sflag:s4], $0x0  }
0x19: {  	s7 =	sld [smem:$0x3F9F]  }
0x1a: {  	s8 =	sadd.s32 $0xFFFFE003, lr  }
0x1b: {  	s9 =	sadd.s32 $0xFFFFFEF7, lr;
	s5 =	simm.s32 $0xFFFFFFFF;
	p2 =	slt.u32 s8, $0xFFFFF086  }
0x1c: {  	p1 =	slt.u32 s9, $0xF7A;
	s5 =	simm.s32 @!p2 $0x0  }
0x1d: {  	s5 =	simm.s32 @p1 $0x1;
	p0 =	seq.s32 s7, s2  }
0x1e: {  	s7 =	smul.u32 @!p0 $0xF7A, s2;
	p2 =	seq.s32 @!p0 s5, $0x0  }
0x1f: {  	s9 =	smul.u32 $0xF7A, s1;
	s8 =	simm.s32 @!p0 $0x1BF5;
	p2 =	por !p2, p0  }
0x20: {  	[sflag:s8] =	ssyncset.s32 @!p0 $0xFFFFF086;
	s6 =	sadd.s32 @!p0 s3, s7;
	s7 =	simm.s32 @!p0 $0x108  }
0x21: {  	s3 =	sadd.s32 s3, s9;
	s6 =	sadd.s32 @!p0 $0x88, s6;
	s7 =	simm.s32 @p2 $0x1082  }
0x22: {  	[simem:s7], [sflag:s8] =	dma.local @!p0 [hbm:s6], $0xF7A  }
0x23: {  	s9 =	sor.u32 $0xD0000000, s2;
	s6 =	simm.s32 $0x108;
	_ =	swait.ge @!p0 [sflag:s8], $0x0  }
0x24: {  	s3 =	sadd.s32 $0x88, s3;
	s6 =	simm.s32 @!p1 $0x1082;
	[sflag:s4] =	ssyncset.s32 $0xFFFFF086  }
0x25: {  	[simem:s6], [sflag:s4] =	dma.local [hbm:s3], $0xF7A  }
0x26: {  	[smem:$0x3F9F] =	sst s1;
	(tag) =	ssettag s2;
	_ =	strace s9  }
0x27: {  	s1 =	sld [smem:$0x3FAF]  }
0x28: {  	s2 =	sld [smem:$0x3FB0]  }
0x29: {  	s4 =	sld [smem:$0x3FB2]  }
0x2a: {  	p0 =	seq.s32 s5, $0x0;
	s5 =	sld [smem:$0x3FB3]  }
0x2b: {  	s6 =	sld [smem:$0x3FB4]  }
0x2c: {  	s7 =	sld [smem:$0x3FB5]  }
0x2d: {  	s3 =	simm.s32 $0x108;
	s8 =	sld [smem:$0x3FB6]  }
0x2e: {  	s3 =	simm.s32 @!p0 $0x1082;
	s9 =	sld [smem:$0x3FB7]  }
0x2f: {  	lr =	sadd.s32 s0, s3;
	s0 =	sld [smem:$0x3FAE]  }
0x30: {  	s3 =	sld [smem:$0x3FB1]  }
0x31: {  	[smem:$0x3FBA] =	sst s10  }
0x32: {  	s10 =	sld [smem:$0x3FB8];
	_ =	sdelay $0x3  }
0x33: {  	p0 =	seq.s32 s10, $0x1;
	s10 =	sld [smem:$0x3FBA];
	_ =	sdelay $0x3  }
0x34: {  	[smem:$0x3FBA] =	sst s10  }
0x35: {  	s10 =	sld [smem:$0x3FB9];
	_ =	sdelay $0x3  }
0x36: {  	p1 =	seq.s32 s10, $0x1;
	s10 =	sld [smem:$0x3FBA];
	_ =	sdelay $0x3  }
0x37: {  	[smem:$0x3FBA] =	sst s10  }
0x38: {  	s10 =	sld [smem:$0x3FBB]  }
0x39: {  	_ = 	snop;
	(pc) =	sbr.ind lr, $3  }
0x3a: {  	_ = 	snop  }
0x3b: {  	_ = 	snop  }
0x3c: {  	p2 =	seq.s32 s10, $0x1;
	s10 =	sld [smem:$0x3FBA]  }
0x3d: {  	_ =	shalt  }
0x3e: {  	_ =	shalt  }
0x3f: {  	_ =	shalt  }
0x40: {  	_ =	shalt  }
0x41: {  	_ =	shalt  }
0x42: {  	_ =	shalt  }
0x43: {  	_ =	shalt  }
0x44: {  	_ =	shalt  }
0x45: {  	_ =	shalt  }
0x46: {  	_ =	shalt  }
0x47: {  	_ =	shalt  }
0x48: {  	_ =	shalt  }
0x49: {  	_ =	shalt  }
0x4a: {  	_ =	shalt  }
0x4b: {  	_ =	shalt  }
0x4c: {  	_ =	shalt  }
0x4d: {  	_ =	shalt  }
0x4e: {  	_ =	shalt  }
0x4f: {  	_ =	shalt  }
0x50: {  	_ =	shalt  }
0x51: {  	_ =	shalt  }
0x52: {  	_ =	shalt  }
0x53: {  	_ =	shalt  }
0x54: {  	_ =	shalt  }
0x55: {  	_ =	shalt  }
0x56: {  	_ =	shalt  }
0x57: {  	_ =	shalt  }
0x58: {  	_ =	shalt  }
0x59: {  	_ =	shalt  }
0x5a: {  	_ =	shalt  }
0x5b: {  	_ =	shalt  }
0x5c: {  	_ =	shalt  }
0x5d: {  	_ =	shalt  }
0x5e: {  	_ =	shalt  }
0x5f: {  	_ =	shalt  }
0x60: {  	_ =	shalt  }
0x61: {  	_ =	shalt  }
0x62: {  	_ =	shalt  }
0x63: {  	_ =	shalt  }
0x64: {  	_ =	shalt  }
0x65: {  	_ =	shalt  }
0x66: {  	_ =	shalt  }
0x67: {  	_ =	shalt  }
0x68: {  	_ =	shalt  }
0x69: {  	_ =	shalt  }
0x6a: {  	_ =	shalt  }
0x6b: {  	_ =	shalt  }
0x6c: {  	_ =	shalt  }
0x6d: {  	_ =	shalt  }
0x6e: {  	_ =	shalt  }
0x6f: {  	_ =	shalt  }
0x70: {  	_ =	shalt  }
0x71: {  	_ =	shalt  }
0x72: {  	_ =	shalt  }
0x73: {  	_ =	shalt  }
0x74: {  	_ =	shalt  }
0x75: {  	_ =	shalt  }
0x76: {  	_ =	shalt  }
0x77: {  	_ =	shalt  }
0x78: {  	_ =	shalt  }
0x79: {  	_ =	shalt  }
0x7a: {  	_ =	shalt  }
0x7b: {  	_ =	shalt  }
0x7c: {  	_ =	shalt  }
0x7d: {  	_ =	shalt  }
0x7e: {  	_ =	shalt  }
0x7f: {  	_ =	shalt  }
0x80: {  	_ =	shalt  }
0x81: {  	_ =	shalt  }
0x82: {  	_ =	shalt  }
0x83: {  	_ =	shalt  }
0x84: {  	_ =	shalt  }
0x85: {  	_ =	shalt  }
0x86: {  	_ =	shalt  }
0x87: {  	_ =	shalt  }
.Lfunc_end0:
.L_simem_size_0:
called_computation_lowered:
.L_overlay_start_0:
0x88: {  	s2 =	sld [smem:$0x3FD9]  }
0x89: {  	s3 =	sld [smem:$0x3FFE];
	_ =	sdelay $0x1  }
0x8a: {  	s1 =	srdreg.scid  }
0x8b: {  	s0 =	sand.u32 $0x1, s1  }
0x8c: {  	s17 =	sshll.u32 s0, $0xA;
	s2 =	sadd.s32 s3, s2  }
0x8d: {  	s2 =	sadd.s32 s2, s17  }
0x8e: {  	[smem:$0x3FC6] =	sst s2  }
0x8f: {  	_ = 	snop  }
0x90: {  	s2 =	sld [smem:$0x3FC8]  }
0x91: {  	s18 =	sld [smem:$0x3FD0];
	(tm) =	ssettm $0x1  }
0x92: {  	s4 =	sld [smem:$0x3FFB];
	_ =	sdelay $0x3  }
0x93: {  	_ =	strace s4  }
0x94: {  	s4 =	sld [smem:$0x3FFC];
	_ =	sdelay $0x3  }
0x95: {  	_ =	strace s4  }
0x96: {  	s4 =	sld [smem:$0x3FFD];
	_ =	sdelay $0x3  }
0x97: {  	_ =	strace s4  }
0x98: {  	_ =	strace $0x8FFFFFFF  }
0x99: {  	s19 =	sld [smem:$0x3FDB];
	_ =	sdelay $0x1  }
0x9a: {  	s5 =	simm.s32 $_scs_section_size  }
0x9b: {  	s6 =	simm.s32 $_size__tile_overlayer_lowered;
	s7 =	simm.s32 $_tile_overlayer_lowered  }
0x9c: {  	s22 =	simm.s32 $0x1BFF;
	s21 =	sshll.u32 s7, $0x1;
	s4 =	sadd.s32 s5, s19  }
0x9d: {  	s8 =	simm.s32 $0x0;
	s20 =	sshll.u32 s6, $0x1;
	s6 =	sadd.s32 s21, s4  }
0x9e: {  	[timem:s8], [sflag:s22] =	dma.local [hbm:s6], s20  }
0x9f: {  	_ =	swait.ge [sflag:s22], s20  }
0xa0: {  	s5 =	ssub.s32 $0x0, s20;
	[sflag:s22] =	ssyncset.done $0x0  }
0xa1: {  	[sflag:s22] =	ssyncadd.s32 s5;
	_ =	sdelay $0x1  }
0xa2: {  	s23 =	simm.s32 $0x1B8B  }
0xa3: {  	_ =	swait.ge [sflag:s23], $0x1  }
0xa4: {  	[sflag:s23] =	ssyncset.done $0x0  }
0xa5: {  	s25 =	simm.s32 $0x1B8E;
	s24 =	sld [smem:$0x3FFE];
	[sflag:s23] =	ssyncadd.s32 $0xFFFFFFFF  }
0xa6: {  	s26 =	simm.s32 $execute0_lowered;
	[smem:$0x3FD2] =	sst s25  }
0xa7: {  	s6 =	sshll.u32 s26, $0x1;
	_ =	strace $0x80000046;
	[dreg:$0x1] =	wrdreg $0xFFFFFFFF  }
0xa8: {  	s28 =	simm.s32 $_size_execute0_lowered;
	s4 =	sadd.s32 s4, s6;
	[dreg:$0x0] =	wrdreg $0x0  }
0xa9: {  	s6 =	sshll.u32 s28, $0x1;
	[dreg:$0x2] =	wrdreg s4  }
0xaa: {  	[dreg:$0x3] =	wrdreg s6  }
0xab: {  	[dreg:$0x4] =	wrdreg $0xC0  }
0xac: {  	_ =	task [dreg:s8], $0x5FFFF  }
0xad: {  	[dreg:$0x1] =	wrdreg $0xFFFFFFFF  }
0xae: {  	[dreg:$0x0] =	wrdreg $0x60  }
0xaf: {  	[dreg:$0x2] =	wrdreg s24  }
0xb0: {  	[dreg:$0x3] =	wrdreg s2  }
0xb1: {  	[dreg:$0x4] =	wrdreg s18  }
0xb2: {  	[dreg:$0x5] =	wrdreg $0x9  }
0xb3: {  	_ =	task.clear_ibuf [dreg:s8], $0x6FFFF;
	_ =	strace $0x90000046  }
0xb4: {  	s29 =	simm.s32 $0x9;
	_ =	strace $0x80000048  }
0xb5: {  	_ =	swait.ge [sflag:s29], $0x1  }
0xb6: {  	[sflag:s29] =	ssyncadd.s32 $0xFFFFFFFF  }
0xb7: {  	_ =	strace $0x90000048  }
0xb8: {  	_ =	sfence  }
0xb9: {  	s30 =	sld [smem:$0x0];
	_ =	sdelay $0x2  }
0xba: {  	s31 =	sshll.u32 s1, $0xD;
	s1 =	sshrl.u32 s1, $0x2  }
0xbb: {  	s3 =	sand.u32 $0x4000, s31;
	s1 =	sadd.s32 s1, s30  }
0xbc: {  	s0 =	sor.u32 s3, s0;
	s1 =	sshll.u32 s1, $0x11  }
0xbd: {  	s0 =	sor.u32 s1, s0  }
0xbe: {  	s0 =	sadd.s32 $0x8F2B, s0  }
0xbf: {  	[sflag:s0] =	ssyncadd.remote.s32 $0x1  }
0xc0: {  	_ =	sfence.sel $0xFFFF  }
0xc1: {  	[dreg:$0x0] =	wrdreg $0xFFFFFFFF;
	(pc) =	sbr.abs _section_cstart, $3  }
0xc2: {  	[dreg:$0x1] =	wrdreg $0xFFFFFFFF  }
0xc3: {  	_ =	task.clear_ibuf [dreg:s8], $0x2FFFF;
	_ =	strace $0x9FFFFFFF  }
0xc4: {  	(tm) =	ssettm $0x7FFFFFFF  }
0xc5: {  	_ =	shalt  }
tec
execute0_lowered:
.L_overlay_start_1:
0x0: {  	(tag) =	ssettag $0x1  }
0x1: {  	s0 =	rddreg [dreg:$0x0]  }
0x2: {  	s1 =	srdreg.scid;
	s2 =	rddreg [dreg:$0x1]  }
0x3: {  	s21 =	stileid.u32;
	s4 =	rddreg [dreg:$0x2];
	s29 =	simm.s32 $0x8200  }
0x4: {  	s30 =	simm.s32 $0x10200;
	s31 =	simm.s32 $0x17A00;
	s23 =	simm.s32 $0x5  }
0x5: {  	s24 =	simm.s32 $0x0;
	s1 =	sand.u32 $0x1, s1;
	s3 =	sshll.u32 s21, $0xA  }
0x6: {  	s7 =	sadd.s32 $0x300, s2;
	s8 =	sadd.s32 $0x400, s2;
	s9 =	sadd.s32 $0x500, s2  }
0x7: {  	s10 =	sadd.s32 $0x600, s2;
	s11 =	sadd.s32 $0x700, s2;
	s12 =	sadd.s32 $0x800, s2  }
0x8: {  	s13 =	sadd.s32 $0x900, s2;
	s14 =	sadd.s32 $0xA00, s2;
	s15 =	sadd.s32 $0xB00, s2  }
0x9: {  	s16 =	sadd.s32 $0xC00, s2;
	s17 =	sadd.s32 $0xD00, s2;
	s18 =	sadd.s32 $0xE00, s2  }
0xa: {  	s21 =	sshll.u32 s21, $0x13;
	s5 =	sshll.u32 s1, $0x9;
	s6 =	ssub.s32 $0x2, s1  }
0xb: {  	s1 =	sshll.u32 s1, $0x12;
	s19 =	sor.u32 s5, s3;
	s3 =	simm.s32 $0x0  }
0xc: {  	s25 =	sshrl.u32 s6, $0x1;
	s5 =	sshrl.u32 s19, $0x3;
	[smem:$0x7FF] =	sst s3  }
0xd: {  	s20 =	ssub.s32 s6, s25;
	s6 =	sadd.s32 $0x200, s2;
	s26 =	sshll.u32 s19, $0x9  }
0xe: {  	s19 =	sadd.s32 $0xF00, s2;
	s0 =	sadd.s32 s5, s0;
	s20 =	smax.u32 s20, $0x1  }
0xf: {  	_ =	strace $0x80000047;
	s0 =	sadd.s32 $0x400, s0;
	[dreg:$0x6] =	wrdreg s20  }
0x10: {  	s25 =	simm.s32 $0x200;
	s5 =	sadd.s32 $0x100, s2;
	[dreg:$0x4] =	wrdreg s0  }
.Ltmp0:
0x11: {  	s0 =	sadd.s32 s26, s4;
	s4 =	sadd.s32 s21, s4;
	(pc) =	sbr.rel .LBB2_1-.Ltmp0, $4  }
0x12: {  	s21 =	simm.s32 $0x1;
	s22 =	sadd.s32 $0x3F000, s0;
	s0 =	sadd.s32 $0x3E000, s0  }
0x13: {  	v0 =	vlaneseq.u32;
	s28 =	sadd.s32 s1, s4;
	s1 =	simm.s32 $0x4;
	[dreg:$0x5] =	wrdreg s22  }
0x14: {  	v1 =	vshrl.u32 v0, $0x3;
	s4 =	simm.s32 $0x6;
	[dreg:$0x7] =	wrdreg s0;
	s0 =	sadd.s32 $0x2000, s28  }
0x15: {  	vm0 =	vmmov $0xffff;
	v0 =	vand.u32 $0x7, v0;
	v1 =	vmul.u32 $0x8, v1;
	s22 =	simm.s32 $0x2;
	[dreg:$0x8] =	wrdreg s0;
	s0 =	simm.s32 $0x3  }
.LBB2_4:
0x16: {  	_ =	swait.ge [sflag:s0], $0x8000  }
0x17: {  	[sflag:s0] =	ssyncset.done $0x0  }
0x18: {  	s20 =	rddreg [dreg:$0x7];
	[sflag:s0] =	ssyncadd.s32 $0xFFFF8000  }
0x19: {  	[hbm4b:s20+s3] =	stream.linear.scatter [tilespmem:s30], [sflag:$0x6], $0x8000, $0x38;
	[tilespmem:$0x18200] =	vst v63  }
0x1a: {  	_ =	swait.ge [sflag:s21], $0x8000  }
0x1b: {  	[sflag:s21] =	ssyncset.done $0x0  }
0x1c: {  	s26 =	rddreg [dreg:$0x5];
	[sflag:s21] =	ssyncadd.s32 $0xFFFF8000  }
0x1d: {  	[hbm4b:s26+s3] =	stream.linear.scatter [tilespmem:s25], [sflag:$0x4], $0x8000, $0x38;
	[tilespmem:$0x18200] =	vst v63  }
0x1e: {  	_ =	swait.ge [sflag:s23], $0x8000  }
0x1f: {  	[sflag:s23] =	ssyncset.done $0x0  }
0x20: {  	[sflag:s23] =	ssyncadd.s32 $0xFFFF8000  }
0x21: {  	_ =	swait.ge [sflag:s4], $0x8000  }
0x22: {  	[sflag:s4] =	ssyncset.done $0x0  }
0x23: {  	[sflag:s4] =	ssyncadd.s32 $0xFFFF8000  }
0x24: {  	_ =	swait.ge [sflag:s1], $0x8000  }
0x25: {  	s24 =	rddreg [dreg:$0x9]  }
0x26: {  	s28 =	rddreg [dreg:$0x6];
	s24 =	sadd.s32 $0x1, s24  }
0x27: {  	p0 =	sne.s32 s24, s28  }
.Ltmp1:
0x28: {  	_ = 	snop;
	(pc) =	sbr.rel @!p0 .LBB2_5-.Ltmp1, $3  }
0x29: {  	_ =	sdelay $0x1  }
0x2a: {  	[sflag:s1] =	ssyncset.done $0x0  }
0x2b: {  	[sflag:s1] =	ssyncadd.s32 $0xFFFF8000  }
.LBB2_1:
0x2c: {  	[dreg:$0x9] =	wrdreg s24  }
0x2d: {  	s20 =	rddreg [dreg:$0x4];
	s24 =	simm.s32 $0x7  }
0x2e: {  	[tilespmem:s3], [sflag:$0x7] =	stream.linear.gather [hbm4b:s20+s3], $0x200, $0x38;
	[tilespmem:$0x18200] =	vst v63  }
0x2f: {  	_ =	swait.ge [sflag:s24], $0x200  }
0x30: {  	[sflag:s24] =	ssyncset.done $0x0  }
0x31: {  	[sflag:s24] =	ssyncadd.s32 $0xFFFFFE00  }
0x32: {  	v2 =	vld.msk [tilespmem:$0x0], $0xff;
	_ =	sdelay $0x4  }
0x33: {  	v3 =	vshll.u32 v2, $0x5  }
0x34: {  	v2 =	vand.u32 $0x7, v2;
	v3 =	vand.u32 $0xFFFFFF00, v3  }
0x35: {  	v2 =	vor.u32 v2, v3  }
0x36: {  	v2 =	vperm.xlane v2, v0;
	_ =	sdelay $0x1  }
0x37: {  	v2 =	vadd.s32 v1, v2;
	_ =	sdelay $0x4  }
0x38: {  	[tilespmem:s25], [sflag:$0x1] =	stream.indirect_vreg.gather [hbm4b:s2+s3], $0x80, v2, vm0, $0xb8;
	[tilespmem:$0x18200] =	vst v63  }
0x39: {  	s26 =	simm.s32 $0xA00  }
0x3a: {  	[tilespmem:s26], [sflag:$0x1] =	stream.indirect_vreg.gather [hbm4b:s5+s3], $0x80, v2, vm0, $0xb8;
	[tilespmem:$0x18200] =	vst v63  }
0x3b: {  	s28 =	simm.s32 $0x1200  }
0x3c: {  	[tilespmem:s28], [sflag:$0x1] =	stream.indirect_vreg.gather [hbm4b:s6+s3], $0x80, v2, vm0, $0xb8;
	[tilespmem:$0x18200] =	vst v63  }
0x3d: {  	s24 =	simm.s32 $0x1A00  }
0x3e: {  	[tilespmem:s24], [sflag:$0x1] =	stream.indirect_vreg.gather [hbm4b:s7+s3], $0x80, v2, vm0, $0xb8;
	[tilespmem:$0x18200] =	vst v63  }
0x3f: {  	s26 =	simm.s32 $0x2200  }
0x40: {  	[tilespmem:s26], [sflag:$0x1] =	stream.indirect_vreg.gather [hbm4b:s8+s3], $0x80, v2, vm0, $0xb8;
	[tilespmem:$0x18200] =	vst v63  }
0x41: {  	s28 =	simm.s32 $0x2A00  }
0x42: {  	[tilespmem:s28], [sflag:$0x1] =	stream.indirect_vreg.gather [hbm4b:s9+s3], $0x80, v2, vm0, $0xb8;
	[tilespmem:$0x18200] =	vst v63  }
0x43: {  	s24 =	simm.s32 $0x3200  }
0x44: {  	[tilespmem:s24], [sflag:$0x1] =	stream.indirect_vreg.gather [hbm4b:s10+s3], $0x80, v2, vm0, $0xb8;
	[tilespmem:$0x18200] =	vst v63  }
0x45: {  	s26 =	simm.s32 $0x3A00  }
0x46: {  	[tilespmem:s26], [sflag:$0x1] =	stream.indirect_vreg.gather [hbm4b:s11+s3], $0x80, v2, vm0, $0xb8;
	[tilespmem:$0x18200] =	vst v63  }
0x47: {  	s28 =	simm.s32 $0x4200  }
0x48: {  	[tilespmem:s28], [sflag:$0x1] =	stream.indirect_vreg.gather [hbm4b:s12+s3], $0x80, v2, vm0, $0xb8;
	[tilespmem:$0x18200] =	vst v63  }
0x49: {  	s24 =	simm.s32 $0x4A00  }
0x4a: {  	[tilespmem:s24], [sflag:$0x1] =	stream.indirect_vreg.gather [hbm4b:s13+s3], $0x80, v2, vm0, $0xb8;
	[tilespmem:$0x18200] =	vst v63  }
0x4b: {  	s26 =	simm.s32 $0x5200  }
0x4c: {  	[tilespmem:s26], [sflag:$0x1] =	stream.indirect_vreg.gather [hbm4b:s14+s3], $0x80, v2, vm0, $0xb8;
	[tilespmem:$0x18200] =	vst v63  }
0x4d: {  	s28 =	simm.s32 $0x5A00  }
0x4e: {  	[tilespmem:s28], [sflag:$0x1] =	stream.indirect_vreg.gather [hbm4b:s15+s3], $0x80, v2, vm0, $0xb8;
	[tilespmem:$0x18200] =	vst v63  }
0x4f: {  	s24 =	simm.s32 $0x6200  }
0x50: {  	[tilespmem:s24], [sflag:$0x1] =	stream.indirect_vreg.gather [hbm4b:s16+s3], $0x80, v2, vm0, $0xb8;
	[tilespmem:$0x18200] =	vst v63  }
0x51: {  	s26 =	simm.s32 $0x6A00  }
0x52: {  	[tilespmem:s26], [sflag:$0x1] =	stream.indirect_vreg.gather [hbm4b:s17+s3], $0x80, v2, vm0, $0xb8;
	[tilespmem:$0x18200] =	vst v63  }
0x53: {  	s28 =	simm.s32 $0x7200  }
0x54: {  	[tilespmem:s28], [sflag:$0x1] =	stream.indirect_vreg.gather [hbm4b:s18+s3], $0x80, v2, vm0, $0xb8;
	[tilespmem:$0x18200] =	vst v63  }
0x55: {  	s24 =	simm.s32 $0x7A00  }
0x56: {  	[tilespmem:s24], [sflag:$0x1] =	stream.indirect_vreg.gather [hbm4b:s19+s3], $0x80, v2, vm0, $0xb8;
	[tilespmem:$0x18200] =	vst v63  }
0x57: {  	v2 =	vld.msk [tilespmem:$0x8], $0xff;
	_ =	sdelay $0x4  }
0x58: {  	v3 =	vshll.u32 v2, $0x5  }
0x59: {  	v2 =	vand.u32 $0x7, v2;
	v3 =	vand.u32 $0xFFFFFF00, v3  }
0x5a: {  	v2 =	vor.u32 v2, v3  }
0x5b: {  	v2 =	vperm.xlane v2, v0;
	_ =	sdelay $0x1  }
0x5c: {  	v2 =	vadd.s32 v1, v2;
	_ =	sdelay $0x4  }
0x5d: {  	[tilespmem:s29], [sflag:$0x2] =	stream.indirect_vreg.gather [hbm4b:s2+s3], $0x80, v2, vm0, $0xb8;
	[tilespmem:$0x18200] =	vst v63  }
0x5e: {  	s26 =	simm.s32 $0x8A00  }
0x5f: {  	[tilespmem:s26], [sflag:$0x2] =	stream.indirect_vreg.gather [hbm4b:s5+s3], $0x80, v2, vm0, $0xb8;
	[tilespmem:$0x18200] =	vst v63  }
0x60: {  	s28 =	simm.s32 $0x9200  }
0x61: {  	[tilespmem:s28], [sflag:$0x2] =	stream.indirect_vreg.gather [hbm4b:s6+s3], $0x80, v2, vm0, $0xb8;
	[tilespmem:$0x18200] =	vst v63  }
0x62: {  	s24 =	simm.s32 $0x9A00  }
0x63: {  	[tilespmem:s24], [sflag:$0x2] =	stream.indirect_vreg.gather [hbm4b:s7+s3], $0x80, v2, vm0, $0xb8;
	[tilespmem:$0x18200] =	vst v63  }
0x64: {  	s26 =	simm.s32 $0xA200  }
0x65: {  	[tilespmem:s26], [sflag:$0x2] =	stream.indirect_vreg.gather [hbm4b:s8+s3], $0x80, v2, vm0, $0xb8;
	[tilespmem:$0x18200] =	vst v63  }
0x66: {  	s28 =	simm.s32 $0xAA00  }
0x67: {  	[tilespmem:s28], [sflag:$0x2] =	stream.indirect_vreg.gather [hbm4b:s9+s3], $0x80, v2, vm0, $0xb8;
	[tilespmem:$0x18200] =	vst v63  }
0x68: {  	s24 =	simm.s32 $0xB200  }
0x69: {  	[tilespmem:s24], [sflag:$0x2] =	stream.indirect_vreg.gather [hbm4b:s10+s3], $0x80, v2, vm0, $0xb8;
	[tilespmem:$0x18200] =	vst v63  }
0x6a: {  	s26 =	simm.s32 $0xBA00  }
0x6b: {  	[tilespmem:s26], [sflag:$0x2] =	stream.indirect_vreg.gather [hbm4b:s11+s3], $0x80, v2, vm0, $0xb8;
	[tilespmem:$0x18200] =	vst v63  }
0x6c: {  	s28 =	simm.s32 $0xC200  }
0x6d: {  	[tilespmem:s28], [sflag:$0x2] =	stream.indirect_vreg.gather [hbm4b:s12+s3], $0x80, v2, vm0, $0xb8;
	[tilespmem:$0x18200] =	vst v63  }
0x6e: {  	s24 =	simm.s32 $0xCA00  }
0x6f: {  	[tilespmem:s24], [sflag:$0x2] =	stream.indirect_vreg.gather [hbm4b:s13+s3], $0x80, v2, vm0, $0xb8;
	[tilespmem:$0x18200] =	vst v63  }
0x70: {  	s26 =	simm.s32 $0xD200  }
0x71: {  	[tilespmem:s26], [sflag:$0x2] =	stream.indirect_vreg.gather [hbm4b:s14+s3], $0x80, v2, vm0, $0xb8;
	[tilespmem:$0x18200] =	vst v63  }
0x72: {  	s28 =	simm.s32 $0xDA00  }
0x73: {  	[tilespmem:s28], [sflag:$0x2] =	stream.indirect_vreg.gather [hbm4b:s15+s3], $0x80, v2, vm0, $0xb8;
	[tilespmem:$0x18200] =	vst v63  }
0x74: {  	s24 =	simm.s32 $0xE200  }
0x75: {  	[tilespmem:s24], [sflag:$0x2] =	stream.indirect_vreg.gather [hbm4b:s16+s3], $0x80, v2, vm0, $0xb8;
	[tilespmem:$0x18200] =	vst v63  }
0x76: {  	s26 =	simm.s32 $0xEA00  }
0x77: {  	[tilespmem:s26], [sflag:$0x2] =	stream.indirect_vreg.gather [hbm4b:s17+s3], $0x80, v2, vm0, $0xb8;
	[tilespmem:$0x18200] =	vst v63  }
0x78: {  	s28 =	simm.s32 $0xF200  }
0x79: {  	[tilespmem:s28], [sflag:$0x2] =	stream.indirect_vreg.gather [hbm4b:s18+s3], $0x80, v2, vm0, $0xb8;
	[tilespmem:$0x18200] =	vst v63  }
0x7a: {  	s24 =	simm.s32 $0xFA00  }
0x7b: {  	[tilespmem:s24], [sflag:$0x2] =	stream.indirect_vreg.gather [hbm4b:s19+s3], $0x80, v2, vm0, $0xb8;
	[tilespmem:$0x18200] =	vst v63  }
0x7c: {  	v2 =	vld.msk [tilespmem:$0x10], $0xff;
	_ =	sdelay $0x4  }
0x7d: {  	v3 =	vshll.u32 v2, $0x5  }
0x7e: {  	v2 =	vand.u32 $0x7, v2;
	v3 =	vand.u32 $0xFFFFFF00, v3  }
0x7f: {  	v2 =	vor.u32 v2, v3  }
0x80: {  	v2 =	vperm.xlane v2, v0;
	_ =	sdelay $0x1  }
0x81: {  	v2 =	vadd.s32 v1, v2;
	_ =	sdelay $0x4  }
0x82: {  	[tilespmem:s30], [sflag:$0x3] =	stream.indirect_vreg.gather [hbm4b:s2+s3], $0x80, v2, vm0, $0xb8;
	[tilespmem:$0x18200] =	vst v63  }
0x83: {  	s26 =	simm.s32 $0x10A00  }
0x84: {  	[tilespmem:s26], [sflag:$0x3] =	stream.indirect_vreg.gather [hbm4b:s5+s3], $0x80, v2, vm0, $0xb8;
	[tilespmem:$0x18200] =	vst v63  }
0x85: {  	s28 =	simm.s32 $0x11200  }
0x86: {  	[tilespmem:s28], [sflag:$0x3] =	stream.indirect_vreg.gather [hbm4b:s6+s3], $0x80, v2, vm0, $0xb8;
	[tilespmem:$0x18200] =	vst v63  }
0x87: {  	s24 =	simm.s32 $0x11A00  }
0x88: {  	[tilespmem:s24], [sflag:$0x3] =	stream.indirect_vreg.gather [hbm4b:s7+s3], $0x80, v2, vm0, $0xb8;
	[tilespmem:$0x18200] =	vst v63  }
0x89: {  	s26 =	simm.s32 $0x12200  }
0x8a: {  	[tilespmem:s26], [sflag:$0x3] =	stream.indirect_vreg.gather [hbm4b:s8+s3], $0x80, v2, vm0, $0xb8;
	[tilespmem:$0x18200] =	vst v63  }
0x8b: {  	s28 =	simm.s32 $0x12A00  }
0x8c: {  	[tilespmem:s28], [sflag:$0x3] =	stream.indirect_vreg.gather [hbm4b:s9+s3], $0x80, v2, vm0, $0xb8;
	[tilespmem:$0x18200] =	vst v63  }
0x8d: {  	s24 =	simm.s32 $0x13200  }
0x8e: {  	[tilespmem:s24], [sflag:$0x3] =	stream.indirect_vreg.gather [hbm4b:s10+s3], $0x80, v2, vm0, $0xb8;
	[tilespmem:$0x18200] =	vst v63  }
0x8f: {  	s26 =	simm.s32 $0x13A00  }
0x90: {  	[tilespmem:s26], [sflag:$0x3] =	stream.indirect_vreg.gather [hbm4b:s11+s3], $0x80, v2, vm0, $0xb8;
	[tilespmem:$0x18200] =	vst v63  }
0x91: {  	s28 =	simm.s32 $0x14200  }
0x92: {  	[tilespmem:s28], [sflag:$0x3] =	stream.indirect_vreg.gather [hbm4b:s12+s3], $0x80, v2, vm0, $0xb8;
	[tilespmem:$0x18200] =	vst v63  }
0x93: {  	s24 =	simm.s32 $0x14A00  }
0x94: {  	[tilespmem:s24], [sflag:$0x3] =	stream.indirect_vreg.gather [hbm4b:s13+s3], $0x80, v2, vm0, $0xb8;
	[tilespmem:$0x18200] =	vst v63  }
0x95: {  	s26 =	simm.s32 $0x15200  }
0x96: {  	[tilespmem:s26], [sflag:$0x3] =	stream.indirect_vreg.gather [hbm4b:s14+s3], $0x80, v2, vm0, $0xb8;
	[tilespmem:$0x18200] =	vst v63  }
0x97: {  	s28 =	simm.s32 $0x15A00  }
0x98: {  	[tilespmem:s28], [sflag:$0x3] =	stream.indirect_vreg.gather [hbm4b:s15+s3], $0x80, v2, vm0, $0xb8;
	[tilespmem:$0x18200] =	vst v63  }
0x99: {  	s24 =	simm.s32 $0x16200  }
0x9a: {  	[tilespmem:s24], [sflag:$0x3] =	stream.indirect_vreg.gather [hbm4b:s16+s3], $0x80, v2, vm0, $0xb8;
	[tilespmem:$0x18200] =	vst v63  }
0x9b: {  	s26 =	simm.s32 $0x16A00  }
0x9c: {  	[tilespmem:s26], [sflag:$0x3] =	stream.indirect_vreg.gather [hbm4b:s17+s3], $0x80, v2, vm0, $0xb8;
	[tilespmem:$0x18200] =	vst v63  }
0x9d: {  	s28 =	simm.s32 $0x17200  }
0x9e: {  	[tilespmem:s28], [sflag:$0x3] =	stream.indirect_vreg.gather [hbm4b:s18+s3], $0x80, v2, vm0, $0xb8;
	[tilespmem:$0x18200] =	vst v63  }
0x9f: {  	s24 =	simm.s32 $0x0;
	s26 =	rddreg [dreg:$0x8]  }
0xa0: {  	[tilespmem:s31], [sflag:$0x3] =	stream.indirect_vreg.gather [hbm4b:s19+s3], $0x80, v2, vm0, $0xb8;
	[tilespmem:$0x18200] =	vst v63  }
.LBB2_2:
0xa1: {  	_ =	swait.ge [sflag:s21], $0x8000  }
0xa2: {  	[sflag:s21] =	ssyncset.done $0x0  }
0xa3: {  	s20 =	sadd.s32 $0xFFFFE000, s26;
	[sflag:s21] =	ssyncadd.s32 $0xFFFF8000  }
0xa4: {  	[hbm4b:s20+s3] =	stream.linear.scatter [tilespmem:s25], [sflag:$0x4], $0x8000, $0x38;
	[tilespmem:$0x18200] =	vst v63  }
0xa5: {  	_ =	swait.ge [sflag:s1], $0x8000  }
0xa6: {  	[sflag:s1] =	ssyncset.done $0x0  }
0xa7: {  	s20 =	sshra.s32 s24, $0x2;
	[sflag:s1] =	ssyncadd.s32 $0xFFFF8000  }
0xa8: {  	v2 =	vld.msk [tilespmem:s20+$0x18], $0xff;
	_ =	sdelay $0x4  }
0xa9: {  	v3 =	vshll.u32 v2, $0x5  }
0xaa: {  	v2 =	vand.u32 $0x7, v2;
	v3 =	vand.u32 $0xFFFFFF00, v3  }
0xab: {  	v2 =	vor.u32 v2, v3  }
0xac: {  	v2 =	vperm.xlane v2, v0;
	_ =	sdelay $0x1  }
0xad: {  	v2 =	vadd.s32 v1, v2;
	_ =	sdelay $0x4  }
0xae: {  	[tilespmem:s25], [sflag:$0x1] =	stream.indirect_vreg.gather [hbm4b:s2+s3], $0x80, v2, vm0, $0xb8;
	[tilespmem:$0x18200] =	vst v63  }
0xaf: {  	s28 =	simm.s32 $0xA00  }
0xb0: {  	[tilespmem:s28], [sflag:$0x1] =	stream.indirect_vreg.gather [hbm4b:s5+s3], $0x80, v2, vm0, $0xb8;
	[tilespmem:$0x18200] =	vst v63  }
0xb1: {  	s28 =	simm.s32 $0x1200  }
0xb2: {  	[tilespmem:s28], [sflag:$0x1] =	stream.indirect_vreg.gather [hbm4b:s6+s3], $0x80, v2, vm0, $0xb8;
	[tilespmem:$0x18200] =	vst v63  }
0xb3: {  	s28 =	simm.s32 $0x1A00  }
0xb4: {  	[tilespmem:s28], [sflag:$0x1] =	stream.indirect_vreg.gather [hbm4b:s7+s3], $0x80, v2, vm0, $0xb8;
	[tilespmem:$0x18200] =	vst v63  }
0xb5: {  	s28 =	simm.s32 $0x2200  }
0xb6: {  	[tilespmem:s28], [sflag:$0x1] =	stream.indirect_vreg.gather [hbm4b:s8+s3], $0x80, v2, vm0, $0xb8;
	[tilespmem:$0x18200] =	vst v63  }
0xb7: {  	s28 =	simm.s32 $0x2A00  }
0xb8: {  	[tilespmem:s28], [sflag:$0x1] =	stream.indirect_vreg.gather [hbm4b:s9+s3], $0x80, v2, vm0, $0xb8;
	[tilespmem:$0x18200] =	vst v63  }
0xb9: {  	s28 =	simm.s32 $0x3200  }
0xba: {  	[tilespmem:s28], [sflag:$0x1] =	stream.indirect_vreg.gather [hbm4b:s10+s3], $0x80, v2, vm0, $0xb8;
	[tilespmem:$0x18200] =	vst v63  }
0xbb: {  	s28 =	simm.s32 $0x3A00  }
0xbc: {  	[tilespmem:s28], [sflag:$0x1] =	stream.indirect_vreg.gather [hbm4b:s11+s3], $0x80, v2, vm0, $0xb8;
	[tilespmem:$0x18200] =	vst v63  }
0xbd: {  	s28 =	simm.s32 $0x4200  }
0xbe: {  	[tilespmem:s28], [sflag:$0x1] =	stream.indirect_vreg.gather [hbm4b:s12+s3], $0x80, v2, vm0, $0xb8;
	[tilespmem:$0x18200] =	vst v63  }
0xbf: {  	s28 =	simm.s32 $0x4A00  }
0xc0: {  	[tilespmem:s28], [sflag:$0x1] =	stream.indirect_vreg.gather [hbm4b:s13+s3], $0x80, v2, vm0, $0xb8;
	[tilespmem:$0x18200] =	vst v63  }
0xc1: {  	s28 =	simm.s32 $0x5200  }
0xc2: {  	[tilespmem:s28], [sflag:$0x1] =	stream.indirect_vreg.gather [hbm4b:s14+s3], $0x80, v2, vm0, $0xb8;
	[tilespmem:$0x18200] =	vst v63  }
0xc3: {  	s28 =	simm.s32 $0x5A00  }
0xc4: {  	[tilespmem:s28], [sflag:$0x1] =	stream.indirect_vreg.gather [hbm4b:s15+s3], $0x80, v2, vm0, $0xb8;
	[tilespmem:$0x18200] =	vst v63  }
0xc5: {  	s28 =	simm.s32 $0x6200  }
0xc6: {  	[tilespmem:s28], [sflag:$0x1] =	stream.indirect_vreg.gather [hbm4b:s16+s3], $0x80, v2, vm0, $0xb8;
	[tilespmem:$0x18200] =	vst v63  }
0xc7: {  	s28 =	simm.s32 $0x6A00  }
0xc8: {  	[tilespmem:s28], [sflag:$0x1] =	stream.indirect_vreg.gather [hbm4b:s17+s3], $0x80, v2, vm0, $0xb8;
	[tilespmem:$0x18200] =	vst v63  }
0xc9: {  	s28 =	simm.s32 $0x7200  }
0xca: {  	[tilespmem:s28], [sflag:$0x1] =	stream.indirect_vreg.gather [hbm4b:s18+s3], $0x80, v2, vm0, $0xb8;
	[tilespmem:$0x18200] =	vst v63  }
0xcb: {  	p0 =	seq.s32 s24, $0x780;
	s28 =	simm.s32 $0x7A00  }
0xcc: {  	[tilespmem:s28], [sflag:$0x1] =	stream.indirect_vreg.gather [hbm4b:s19+s3], $0x80, v2, vm0, $0xb8;
	[tilespmem:$0x18200] =	vst v63  }
.Ltmp2:
0xcd: {  	_ = 	snop;
	(pc) =	sbr.rel @p0 .LBB2_4-.Ltmp2, $4  }
0xce: {  	_ =	swait.ge [sflag:s22], $0x8000  }
0xcf: {  	[sflag:s22] =	ssyncset.done $0x0  }
0xd0: {  	s28 =	sadd.s32 $0xFFFFF000, s26;
	[sflag:s22] =	ssyncadd.s32 $0xFFFF8000  }
0xd1: {  	[hbm4b:s28+s3] =	stream.linear.scatter [tilespmem:s29], [sflag:$0x5], $0x8000, $0x38;
	[tilespmem:$0x18200] =	vst v63  }
0xd2: {  	_ =	swait.ge [sflag:s23], $0x8000  }
0xd3: {  	[sflag:s23] =	ssyncset.done $0x0  }
0xd4: {  	[sflag:s23] =	ssyncadd.s32 $0xFFFF8000  }
0xd5: {  	v2 =	vld.msk [tilespmem:s20+$0x20], $0xff;
	_ =	sdelay $0x4  }
0xd6: {  	v3 =	vshll.u32 v2, $0x5  }
0xd7: {  	v2 =	vand.u32 $0x7, v2;
	v3 =	vand.u32 $0xFFFFFF00, v3  }
0xd8: {  	v2 =	vor.u32 v2, v3  }
0xd9: {  	v2 =	vperm.xlane v2, v0;
	_ =	sdelay $0x1  }
0xda: {  	v2 =	vadd.s32 v1, v2;
	_ =	sdelay $0x4  }
0xdb: {  	[tilespmem:s29], [sflag:$0x2] =	stream.indirect_vreg.gather [hbm4b:s2+s3], $0x80, v2, vm0, $0xb8;
	[tilespmem:$0x18200] =	vst v63  }
0xdc: {  	s28 =	simm.s32 $0x8A00  }
0xdd: {  	[tilespmem:s28], [sflag:$0x2] =	stream.indirect_vreg.gather [hbm4b:s5+s3], $0x80, v2, vm0, $0xb8;
	[tilespmem:$0x18200] =	vst v63  }
0xde: {  	s28 =	simm.s32 $0x9200  }
0xdf: {  	[tilespmem:s28], [sflag:$0x2] =	stream.indirect_vreg.gather [hbm4b:s6+s3], $0x80, v2, vm0, $0xb8;
	[tilespmem:$0x18200] =	vst v63  }
0xe0: {  	s28 =	simm.s32 $0x9A00  }
0xe1: {  	[tilespmem:s28], [sflag:$0x2] =	stream.indirect_vreg.gather [hbm4b:s7+s3], $0x80, v2, vm0, $0xb8;
	[tilespmem:$0x18200] =	vst v63  }
0xe2: {  	s28 =	simm.s32 $0xA200  }
0xe3: {  	[tilespmem:s28], [sflag:$0x2] =	stream.indirect_vreg.gather [hbm4b:s8+s3], $0x80, v2, vm0, $0xb8;
	[tilespmem:$0x18200] =	vst v63  }
0xe4: {  	s28 =	simm.s32 $0xAA00  }
0xe5: {  	[tilespmem:s28], [sflag:$0x2] =	stream.indirect_vreg.gather [hbm4b:s9+s3], $0x80, v2, vm0, $0xb8;
	[tilespmem:$0x18200] =	vst v63  }
0xe6: {  	s28 =	simm.s32 $0xB200  }
0xe7: {  	[tilespmem:s28], [sflag:$0x2] =	stream.indirect_vreg.gather [hbm4b:s10+s3], $0x80, v2, vm0, $0xb8;
	[tilespmem:$0x18200] =	vst v63  }
0xe8: {  	s28 =	simm.s32 $0xBA00  }
0xe9: {  	[tilespmem:s28], [sflag:$0x2] =	stream.indirect_vreg.gather [hbm4b:s11+s3], $0x80, v2, vm0, $0xb8;
	[tilespmem:$0x18200] =	vst v63  }
0xea: {  	s28 =	simm.s32 $0xC200  }
0xeb: {  	[tilespmem:s28], [sflag:$0x2] =	stream.indirect_vreg.gather [hbm4b:s12+s3], $0x80, v2, vm0, $0xb8;
	[tilespmem:$0x18200] =	vst v63  }
0xec: {  	s28 =	simm.s32 $0xCA00  }
0xed: {  	[tilespmem:s28], [sflag:$0x2] =	stream.indirect_vreg.gather [hbm4b:s13+s3], $0x80, v2, vm0, $0xb8;
	[tilespmem:$0x18200] =	vst v63  }
0xee: {  	s28 =	simm.s32 $0xD200  }
0xef: {  	[tilespmem:s28], [sflag:$0x2] =	stream.indirect_vreg.gather [hbm4b:s14+s3], $0x80, v2, vm0, $0xb8;
	[tilespmem:$0x18200] =	vst v63  }
0xf0: {  	s28 =	simm.s32 $0xDA00  }
0xf1: {  	[tilespmem:s28], [sflag:$0x2] =	stream.indirect_vreg.gather [hbm4b:s15+s3], $0x80, v2, vm0, $0xb8;
	[tilespmem:$0x18200] =	vst v63  }
0xf2: {  	s28 =	simm.s32 $0xE200  }
0xf3: {  	[tilespmem:s28], [sflag:$0x2] =	stream.indirect_vreg.gather [hbm4b:s16+s3], $0x80, v2, vm0, $0xb8;
	[tilespmem:$0x18200] =	vst v63  }
0xf4: {  	s28 =	simm.s32 $0xEA00  }
0xf5: {  	[tilespmem:s28], [sflag:$0x2] =	stream.indirect_vreg.gather [hbm4b:s17+s3], $0x80, v2, vm0, $0xb8;
	[tilespmem:$0x18200] =	vst v63  }
0xf6: {  	s28 =	simm.s32 $0xF200  }
0xf7: {  	[tilespmem:s28], [sflag:$0x2] =	stream.indirect_vreg.gather [hbm4b:s18+s3], $0x80, v2, vm0, $0xb8;
	[tilespmem:$0x18200] =	vst v63  }
0xf8: {  	s28 =	simm.s32 $0xFA00  }
0xf9: {  	[tilespmem:s28], [sflag:$0x2] =	stream.indirect_vreg.gather [hbm4b:s19+s3], $0x80, v2, vm0, $0xb8;
	[tilespmem:$0x18200] =	vst v63  }
0xfa: {  	_ =	swait.ge [sflag:s0], $0x8000  }
0xfb: {  	[sflag:s0] =	ssyncset.done $0x0  }
0xfc: {  	[sflag:s0] =	ssyncadd.s32 $0xFFFF8000  }
0xfd: {  	[hbm4b:s26+s3] =	stream.linear.scatter [tilespmem:s30], [sflag:$0x6], $0x8000, $0x38;
	[tilespmem:$0x18200] =	vst v63  }
0xfe: {  	_ =	swait.ge [sflag:s4], $0x8000  }
0xff: {  	[sflag:s4] =	ssyncset.done $0x0  }
0x100: {  	[sflag:s4] =	ssyncadd.s32 $0xFFFF8000  }
0x101: {  	v2 =	vld.msk [tilespmem:s20+$0x28], $0xff;
	_ =	sdelay $0x4  }
0x102: {  	v3 =	vshll.u32 v2, $0x5  }
0x103: {  	v2 =	vand.u32 $0x7, v2;
	v3 =	vand.u32 $0xFFFFFF00, v3  }
0x104: {  	v2 =	vor.u32 v2, v3  }
0x105: {  	v2 =	vperm.xlane v2, v0;
	_ =	sdelay $0x1  }
0x106: {  	v2 =	vadd.s32 v1, v2;
	_ =	sdelay $0x4  }
0x107: {  	[tilespmem:s30], [sflag:$0x3] =	stream.indirect_vreg.gather [hbm4b:s2+s3], $0x80, v2, vm0, $0xb8;
	[tilespmem:$0x18200] =	vst v63  }
0x108: {  	s28 =	simm.s32 $0x10A00  }
0x109: {  	[tilespmem:s28], [sflag:$0x3] =	stream.indirect_vreg.gather [hbm4b:s5+s3], $0x80, v2, vm0, $0xb8;
	[tilespmem:$0x18200] =	vst v63  }
0x10a: {  	s28 =	simm.s32 $0x11200  }
0x10b: {  	[tilespmem:s28], [sflag:$0x3] =	stream.indirect_vreg.gather [hbm4b:s6+s3], $0x80, v2, vm0, $0xb8;
	[tilespmem:$0x18200] =	vst v63  }
0x10c: {  	s28 =	simm.s32 $0x11A00  }
0x10d: {  	[tilespmem:s28], [sflag:$0x3] =	stream.indirect_vreg.gather [hbm4b:s7+s3], $0x80, v2, vm0, $0xb8;
	[tilespmem:$0x18200] =	vst v63  }
0x10e: {  	s28 =	simm.s32 $0x12200  }
0x10f: {  	[tilespmem:s28], [sflag:$0x3] =	stream.indirect_vreg.gather [hbm4b:s8+s3], $0x80, v2, vm0, $0xb8;
	[tilespmem:$0x18200] =	vst v63  }
0x110: {  	s28 =	simm.s32 $0x12A00  }
0x111: {  	[tilespmem:s28], [sflag:$0x3] =	stream.indirect_vreg.gather [hbm4b:s9+s3], $0x80, v2, vm0, $0xb8;
	[tilespmem:$0x18200] =	vst v63  }
0x112: {  	s28 =	simm.s32 $0x13200  }
0x113: {  	[tilespmem:s28], [sflag:$0x3] =	stream.indirect_vreg.gather [hbm4b:s10+s3], $0x80, v2, vm0, $0xb8;
	[tilespmem:$0x18200] =	vst v63  }
0x114: {  	s28 =	simm.s32 $0x13A00  }
0x115: {  	[tilespmem:s28], [sflag:$0x3] =	stream.indirect_vreg.gather [hbm4b:s11+s3], $0x80, v2, vm0, $0xb8;
	[tilespmem:$0x18200] =	vst v63  }
0x116: {  	s28 =	simm.s32 $0x14200  }
0x117: {  	[tilespmem:s28], [sflag:$0x3] =	stream.indirect_vreg.gather [hbm4b:s12+s3], $0x80, v2, vm0, $0xb8;
	[tilespmem:$0x18200] =	vst v63  }
0x118: {  	s28 =	simm.s32 $0x14A00  }
0x119: {  	[tilespmem:s28], [sflag:$0x3] =	stream.indirect_vreg.gather [hbm4b:s13+s3], $0x80, v2, vm0, $0xb8;
	[tilespmem:$0x18200] =	vst v63  }
0x11a: {  	s28 =	simm.s32 $0x15200  }
0x11b: {  	[tilespmem:s28], [sflag:$0x3] =	stream.indirect_vreg.gather [hbm4b:s14+s3], $0x80, v2, vm0, $0xb8;
	[tilespmem:$0x18200] =	vst v63  }
0x11c: {  	s28 =	simm.s32 $0x15A00  }
0x11d: {  	[tilespmem:s28], [sflag:$0x3] =	stream.indirect_vreg.gather [hbm4b:s15+s3], $0x80, v2, vm0, $0xb8;
	[tilespmem:$0x18200] =	vst v63  }
0x11e: {  	s28 =	simm.s32 $0x16200  }
0x11f: {  	[tilespmem:s28], [sflag:$0x3] =	stream.indirect_vreg.gather [hbm4b:s16+s3], $0x80, v2, vm0, $0xb8;
	[tilespmem:$0x18200] =	vst v63  }
0x120: {  	s28 =	simm.s32 $0x16A00  }
0x121: {  	[tilespmem:s28], [sflag:$0x3] =	stream.indirect_vreg.gather [hbm4b:s17+s3], $0x80, v2, vm0, $0xb8;
	[tilespmem:$0x18200] =	vst v63  }
.Ltmp3:
0x122: {  	_ = 	snop;
	(pc) =	sbr.rel .LBB2_2-.Ltmp3, $4  }
0x123: {  	s28 =	simm.s32 $0x17200  }
0x124: {  	[tilespmem:s28], [sflag:$0x3] =	stream.indirect_vreg.gather [hbm4b:s18+s3], $0x80, v2, vm0, $0xb8;
	[tilespmem:$0x18200] =	vst v63  }
0x125: {  	s24 =	sadd.s32 $0x60, s24;
	s26 =	sadd.s32 $0x3000, s26  }
0x126: {  	[tilespmem:s31], [sflag:$0x3] =	stream.indirect_vreg.gather [hbm4b:s19+s3], $0x80, v2, vm0, $0xb8;
	[tilespmem:$0x18200] =	vst v63  }
.LBB2_5:
0x127: {  	_ =	sfence.sel $0x180000  }
0x128: {  	[bflag:$0x0] =	sbarrier.arrive $0xFFFF  }
0x129: {  	_ =	strace $0x90000047  }
0x12a: {  	s0 =	stileid.u32;
	[bflag:$0x2] =	sbarrier.arrive $0xFFFF  }
0x12b: {  	p0 =	sne.s32 s0, $0x0;
	s0 =	rddreg [dreg:$0x3]  }
0x12c: {  	s0 =	sadd.s32 @!p0 $0x100000, s0  }
0x12d: {  	[sflag:s0] =	ssyncadd.tile.s32 @!p0 $0x1;
	_ =	shalt  }
.Lfunc_end2:
_tile_overlayer_lowered:
.L_overlay_start_2:
0x12e: {  	(tag) =	ssettag $0x2  }
0x12f: {  	s0 =	rddreg [dreg:$0x0];
	s2 =	stileid.u32  }
0x130: {  	s1 =	rddreg [dreg:$0x1];
	p0 =	sne.s32 s2, $0x0  }
0x131: {  	s3 =	rddreg [dreg:$0x2];
	[bflag:$0x3] =	sbarrier.arrive $0xFFFF;
	s2 =	simm.s32 @!p0 $0x1C07  }
0x132: {  	[timem:s3], [sflag:s2] =	dma.local @!p0 [hbm:s0], s1  }
0x133: {  	s0 =	simm.s32 @!p0 $0x7  }
0x134: {  	_ =	swait.ge @!p0 [sflag:s0], s1  }
0x135: {  	s1 =	ssub.s32 @!p0 $0x0, s1;
	[sflag:s0] =	ssyncset.done @!p0 $0x0  }
0x136: {  	[sflag:s0] =	ssyncadd.s32 @!p0 s1  }
0x137: {  	[bflag:$0x3] =	sbarrier.arrive $0xFFFF  }
0x138: {  	_ =	shalt  }

</sc_bundles>
